<compile_context>
chip_gen: v7x
topology: tpu7x:2x2x1
jax: 0.10.2.dev20260603
libtpu: 0.0.44.dev20260713+nightly
codegen_flags: <defaults>
</compile_context>

<pallas_src>
import functools

import jax
import jax.numpy as jnp
from jax import lax
from jax.experimental import pallas as pl
from jax.experimental.pallas import tpu as pltpu
from jax.experimental.pallas import tpu_sc as plsc

E = 8
K = 2
BLK = 256
NBP = 24
CH = 512

_SC_INFO = plsc.get_sparse_core_info()
_NC, _NS, _L = _SC_INFO.num_cores, _SC_INFO.num_subcores, _SC_INFO.num_lanes
_NW = _NC * _NS


def _route_body(x_ref, rwt_ref, slot_ref, p_ref, bexp_ref, oh_scr, c_scr):
    T = x_ref.shape[0]
    logits = jnp.dot(x_ref[...], rwt_ref[...], preferred_element_type=jnp.float32)
    iota_e = lax.broadcasted_iota(jnp.int32, (T, E), 1)
    m1 = jnp.max(logits, axis=1, keepdims=True)
    i1 = jnp.min(jnp.where(logits == m1, iota_e, E), axis=1, keepdims=True)
    l2 = jnp.where(iota_e == i1, -jnp.inf, logits)
    m2 = jnp.max(l2, axis=1, keepdims=True)
    i2 = jnp.min(jnp.where(l2 == m2, iota_e, E), axis=1, keepdims=True)
    p1 = 1.0 / (1.0 + jnp.exp(m2 - m1))
    p2 = 1.0 - p1
    oh1 = (iota_e == i1).astype(jnp.float32)
    oh2 = (iota_e == i2).astype(jnp.float32)
    oh_scr[...] = oh1 + oh2

    lr = lax.broadcasted_iota(jnp.int32, (CH, CH), 0)
    lc = lax.broadcasted_iota(jnp.int32, (CH, CH), 1)
    lstrict = (lr > lc).astype(jnp.float32)

    def step(c, carry):
        sl = pl.ds(c * CH, CH)
        ohc = oh_scr[sl, :]
        c_scr[sl, :] = jnp.dot(lstrict, ohc, preferred_element_type=jnp.float32) + carry
        return carry + jnp.sum(ohc, axis=0, keepdims=True)

    counts = lax.fori_loop(0, T // CH, step, jnp.zeros((1, E), jnp.float32))

    blocks = jnp.floor((counts + (BLK - 1)) * (1.0 / BLK))
    iota_r8 = lax.broadcasted_iota(jnp.int32, (E, E), 0)
    iota_c8 = lax.broadcasted_iota(jnp.int32, (E, E), 1)
    blocks_b = jnp.dot(jnp.ones((E, 1), jnp.float32), blocks,
                       preferred_element_type=jnp.float32)
    blocks_s = jnp.sum(jnp.where(iota_r8 == iota_c8, blocks_b, 0.0),
                       axis=1, keepdims=True)
    lincl = (iota_r8 >= iota_c8).astype(jnp.float32)
    cumb_incl_s = jnp.dot(lincl, blocks_s, preferred_element_type=jnp.float32)
    iota_b = lax.broadcasted_iota(jnp.int32, (E, 128), 1)
    ge = (iota_b >= cumb_incl_s.astype(jnp.int32)).astype(jnp.int32)
    bexp_ref[...] = jnp.minimum(jnp.sum(ge, axis=0, keepdims=True), E - 1)

    cumb_excl = jnp.dot(blocks, (iota_r8 < iota_c8).astype(jnp.float32),
                        preferred_element_type=jnp.float32)
    off_row = cumb_excl * float(BLK)
    c_full = c_scr[...]
    slot1 = jnp.sum(oh1 * (c_full + off_row), axis=1, keepdims=True)
    slot2 = jnp.sum(oh2 * (c_full + off_row), axis=1, keepdims=True)
    slot_ref[...] = jnp.concatenate(
        [slot1.astype(jnp.int32), slot2.astype(jnp.int32)], axis=1)
    iota_l = lax.broadcasted_iota(jnp.int32, (x_ref.shape[0], K * 128), 1)
    p_ref[...] = jnp.where(iota_l < 128, p1, p2)


def _route(xf, rwt):
    T, Dd = xf.shape
    return pl.pallas_call(
        _route_body,
        out_shape=(
            jax.ShapeDtypeStruct((T, K), jnp.int32),
            jax.ShapeDtypeStruct((T, K * 128), jnp.float32),
            jax.ShapeDtypeStruct((1, 128), jnp.int32),
        ),
        scratch_shapes=[pltpu.VMEM((T, E), jnp.float32),
                        pltpu.VMEM((T, E), jnp.float32)],
    )(xf, rwt)


def _make_dispatch(T, Dd, ns_rows):
    npw = (T * K) // _NW
    mesh = plsc.VectorSubcoreMesh(core_axis_name="c", subcore_axis_name="s")

    @functools.partial(
        pl.kernel, mesh=mesh,
        out_type=(
            jax.ShapeDtypeStruct((ns_rows, Dd), jnp.float32),
            jax.ShapeDtypeStruct((ns_rows, 128), jnp.float32),
        ),
        scratch_types=[
            pltpu.VMEM((npw,), jnp.int32),
            pltpu.VMEM((npw,), jnp.int32),
            pltpu.VMEM((npw, Dd), jnp.float32),
            pltpu.VMEM((npw, 128), jnp.float32),
            pltpu.SemaphoreType.DMA,
        ],
    )
    def dispatch(xf_hbm, tok_hbm, slot_hbm, p_hbm, xs_hbm, ps_hbm,
                 tok_v, slot_vf, xbuf, prep, sem):
        wid = lax.axis_index("s") * _NC + lax.axis_index("c")
        base = wid * npw
        pltpu.sync_copy(tok_hbm.at[pl.ds(base, npw)], tok_v)
        pltpu.sync_copy(slot_hbm.at[pl.ds(base, npw)], slot_vf)
        pltpu.sync_copy(p_hbm.at[pl.ds(base, npw)], prep)
        pltpu.async_copy(xf_hbm.at[tok_v], xbuf, sem).wait()
        pltpu.async_copy(xbuf, xs_hbm.at[slot_vf], sem).wait()
        pltpu.async_copy(prep, ps_hbm.at[slot_vf], sem).wait()

    return dispatch


def _gelu_exact(v):
    return 0.5 * v * (1.0 + lax.erf(v * 0.7071067811865476))


def _mlp_body(bexp_ref, xs_ref, ps_ref, w1_ref, w2_ref, y_ref):
    h = jnp.dot(xs_ref[...].astype(jnp.bfloat16), w1_ref[...].astype(jnp.bfloat16),
                preferred_element_type=jnp.float32)
    h = _gelu_exact(h)
    y = jnp.dot(h.astype(jnp.bfloat16), w2_ref[...].astype(jnp.bfloat16),
                preferred_element_type=jnp.float32)
    y_ref[...] = y * ps_ref[:, 0:1]


def _grouped_mlp(bexp, xs, ps, w1, w2):
    ns_rows, Dd = xs.shape
    S = w1.shape[1] // E
    grid_spec = pltpu.PrefetchScalarGridSpec(
        num_scalar_prefetch=1,
        grid=(NBP,),
        in_specs=[
            pl.BlockSpec((BLK, Dd), lambda b, be: (b, 0)),
            pl.BlockSpec((BLK, 128), lambda b, be: (b, 0)),
            pl.BlockSpec((Dd, S), lambda b, be: (0, be[b])),
            pl.BlockSpec((S, Dd), lambda b, be: (be[b], 0)),
        ],
        out_specs=pl.BlockSpec((BLK, Dd), lambda b, be: (b, 0)),
    )
    return pl.pallas_call(
        _mlp_body,
        grid_spec=grid_spec,
        out_shape=jax.ShapeDtypeStruct((ns_rows, Dd), jnp.float32),
    )(bexp, xs, ps, w1, w2)


def _make_combine(T, Dd, ns_rows):
    npw = (T * K) // _NW
    tpw = T // _NW
    nch = Dd // _L
    mesh = plsc.VectorSubcoreMesh(core_axis_name="c", subcore_axis_name="s")

    @functools.partial(
        pl.kernel, mesh=mesh,
        out_type=jax.ShapeDtypeStruct((T * K, Dd), jnp.float32),
        scratch_types=[
            pltpu.VMEM((npw,), jnp.int32),
            pltpu.VMEM((npw, Dd), jnp.float32),
            pltpu.SemaphoreType.DMA,
        ],
    )
    def combine_gather(y_hbm, slot_hbm, yg_hbm, slot_v, ybuf, sem):
        wid = lax.axis_index("s") * _NC + lax.axis_index("c")
        base = wid * npw
        pltpu.sync_copy(slot_hbm.at[pl.ds(base, npw)], slot_v)
        pltpu.async_copy(y_hbm.at[slot_v], ybuf, sem).wait()
        pltpu.sync_copy(ybuf, yg_hbm.at[pl.ds(base, npw)])

    return combine_gather


def _pair_add_body(yg_ref, o_ref):
    R = o_ref.shape[0]
    ir = lax.broadcasted_iota(jnp.int32, (R, 2 * R), 0)
    ic = lax.broadcasted_iota(jnp.int32, (R, 2 * R), 1)
    pmat = ((ic == 2 * ir) | (ic == 2 * ir + 1)).astype(jnp.float32)
    o_ref[...] = jnp.dot(pmat, yg_ref[...], preferred_element_type=jnp.float32)


def _pair_add(yg, T, Dd):
    R = 512
    return pl.pallas_call(
        _pair_add_body,
        grid=(T // R,),
        in_specs=[pl.BlockSpec((2 * R, Dd), lambda w: (w, 0))],
        out_specs=pl.BlockSpec((R, Dd), lambda w: (w, 0)),
        out_shape=jax.ShapeDtypeStruct((T, Dd), jnp.float32),
    )(yg)


def kernel(x, w1, w2, router_w):
    Bb, Ss, Dd = x.shape
    T = Bb * Ss
    ns_rows = NBP * BLK
    xf = x.reshape(T, Dd)
    rwt = router_w.T

    slot, p, bexp = _route(xf, rwt)
    slot_flat = slot.reshape(T * K)
    p_rep = p.reshape(T * K, 128)
    bexp_flat = bexp.reshape(128)[:NBP]
    tok_ids = jnp.arange(T * K, dtype=jnp.int32) // K

    xs, ps = _make_dispatch(T, Dd, ns_rows)(xf, tok_ids, slot_flat, p_rep)
    y = _grouped_mlp(bexp_flat, xs, ps, w1, w2)
    yg = _make_combine(T, Dd, ns_rows)(y, slot_flat)
    out = _pair_add(yg, T, Dd)
    return out.reshape(Bb, Ss, Dd)

# --- scband reference (transcript-rebuilt; emitter-appended) ---
"""Pipeline reference for scband-moe-mlp-13520557048401 (READ-ONLY COPY).

The authoritative reference and input builder live on the scoring server;
editing this copy changes nothing except your own understanding.
"""

import jax, jax.numpy as jnp
import numpy as np

E = 8          # num_experts
K = 2          # num_experts_per_tok
D = 768        # n_embd
S_EXP = 512    # expert_sizes (per-expert ffn width, multiple of block_size=128)
B = 1
SEQ = 2048


def setup_inputs(seed: int = 0) -> dict:
    key = jax.random.key(seed)
    k1, k2, k3, k4 = jax.random.split(key, 4)
    x = jax.random.normal(k1, (B, SEQ, D), dtype=jnp.float32)
    # trunc_normal(std=0.02, a=-0.06, b=0.06) ~= truncated_normal(-3, 3) * 0.02
    w1 = jax.random.truncated_normal(k2, -3.0, 3.0, (D, E * S_EXP), dtype=jnp.float32) * 0.02
    w2 = jax.random.truncated_normal(k3, -3.0, 3.0, (E * S_EXP, D), dtype=jnp.float32) * 0.02
    bound = 1.0 / np.sqrt(D)  # nn.Linear default init
    router_w = jax.random.uniform(k4, (E, D), minval=-bound, maxval=bound, dtype=jnp.float32)
    return {"x": x, "w1": w1, "w2": w2, "router_w": router_w}


def reference(x, w1, w2, router_w):
    Bb, Ss, Dd = x.shape
    x_flat = x.reshape(Bb * Ss, Dd)
    # _route_tokens
    router_logits = x_flat @ router_w.T
    router_weights = jax.nn.softmax(router_logits.astype(jnp.float32), axis=1)
    topk_vals, selected_experts = jax.lax.top_k(router_weights, K)
    # norm_topk_prob = True
    topk_vals = topk_vals / jnp.sum(topk_vals, axis=-1, keepdims=True)
    topk_vals = topk_vals.astype(x_flat.dtype)
    # Expert MLPs. weight_offsets are contiguous equal-size slices of w1/w2, so the
    # sort/pad/block-sparse SDD->gelu->DSD pipeline is mathematically equivalent to
    # per-expert dense: y_e(t) = gelu(x_t @ w1[:, off_e:off_e+S]) @ w2[off_e:off_e+S, :]
    w1r = w1.reshape(Dd, E, S_EXP)
    w2r = w2.reshape(E, S_EXP, Dd)
    h = jnp.einsum('td,des->ets', x_flat, w1r)
    h = jax.nn.gelu(h, approximate=False)  # F.gelu default = exact erf gelu
    y = jnp.einsum('ets,esd->etd', h, w2r)  # [E, T, D]
    T = x_flat.shape[0]
    t_idx = jnp.arange(T)
    out = jnp.zeros_like(x_flat)
    for j in range(K):
        out = out + topk_vals[:, j, None] * y[selected_experts[:, j], t_idx]
    return out.reshape(Bb, Ss, Dd)

if __name__ == "__main__":
    import jax
    _d = setup_inputs()
    print(jax.jit(kernel)(*tuple(_d.values())))

</pallas_src>

<mosaic_0001>
#map = affine_map<(d0, d1) -> (0, 0)>
#map1 = affine_map<(d0, d1) -> (0)>
module attributes {stable_mosaic.version = 14 : i64} {
  func.func @dispatch(%arg0: i32, %arg1: i32, %arg2: memref<2048x768xf32, #tpu.memory_space<hbm>>, %arg3: memref<4096xi32, #tpu.memory_space<hbm>>, %arg4: memref<4096xi32, #tpu.memory_space<hbm>>, %arg5: memref<4096x128xf32, #tpu.memory_space<hbm>>, %arg6: memref<6144x768xf32, #tpu.memory_space<hbm>>, %arg7: memref<6144x128xf32, #tpu.memory_space<hbm>>, %arg8: memref<128xi32, #tpu.memory_space<vmem>>, %arg9: memref<128xi32, #tpu.memory_space<vmem>>, %arg10: memref<128x768xf32, #tpu.memory_space<vmem>>, %arg11: memref<128x128xf32, #tpu.memory_space<vmem>>, %arg12: memref<!tpu.dma_semaphore, #tpu.memory_space<semaphore_mem>>) attributes {dimension_semantics = [#tpu.dimension_semantics<core_parallel>, #tpu.dimension_semantics<subcore_parallel>], iteration_bounds = array<i64: 2, 16>, scalar_prefetch = 0 : i64, scratch_operands = 5 : i64, tpu.core_type = #tpu.core_type<sc_vector_subcore>, window_params = [{transform_indices = #map}, {transform_indices = #map1}, {transform_indices = #map1}, {transform_indices = #map}, {transform_indices = #map}, {transform_indices = #map}]} {
    %mul3A = arith.constant 2 : i32
    %mul3A_0 = arith.muli %arg1, %mul3A : i32
    %add3A = arith.addi %mul3A_0, %arg0 : i32
    %mul3A_1 = arith.constant 128 : i32
    %mul3A_2 = arith.muli %add3A, %mul3A_1 : i32
    "tpu.region"() ({
      %run_scoped3A = tpu.sem_alloc : memref<!tpu.dma_semaphore, #tpu.memory_space<semaphore_mem>>
      %dma_start3A_19 = tpu.memref_slice %arg3[%mul3A_2] : memref<4096xi32, #tpu.memory_space<hbm>> -> memref<128xi32, #tpu.memory_space<hbm>>
      %dma_start3A_20 = tpu.memref_slice %arg3[%mul3A_2] : memref<4096xi32, #tpu.memory_space<hbm>> -> memref<128xi32, #tpu.memory_space<hbm>>
      tpu.enqueue_dma source(%dma_start3A_20 : memref<128xi32, #tpu.memory_space<hbm>>) target(%arg8 : memref<128xi32, #tpu.memory_space<vmem>>) target_semaphore(%run_scoped3A : memref<!tpu.dma_semaphore, #tpu.memory_space<semaphore_mem>>)
      %dma_wait3A_21 = tpu.memref_slice %arg3[%mul3A_2] : memref<4096xi32, #tpu.memory_space<hbm>> -> memref<128xi32, #tpu.memory_space<hbm>>
      %dma_wait3A_22 = tpu.memref_slice %arg3[%mul3A_2] : memref<4096xi32, #tpu.memory_space<hbm>> -> memref<128xi32, #tpu.memory_space<hbm>>
      tpu.wait_dma2 semaphore(%run_scoped3A : memref<!tpu.dma_semaphore, #tpu.memory_space<semaphore_mem>>) src(%dma_wait3A_22 : memref<128xi32, #tpu.memory_space<hbm>>) dst(%arg8 : memref<128xi32, #tpu.memory_space<vmem>>)
      tpu.yield
    }) : () -> ()
    "tpu.region"() ({
      %run_scoped3A = tpu.sem_alloc : memref<!tpu.dma_semaphore, #tpu.memory_space<semaphore_mem>>
      %dma_start3A_19 = tpu.memref_slice %arg4[%mul3A_2] : memref<4096xi32, #tpu.memory_space<hbm>> -> memref<128xi32, #tpu.memory_space<hbm>>
      %dma_start3A_20 = tpu.memref_slice %arg4[%mul3A_2] : memref<4096xi32, #tpu.memory_space<hbm>> -> memref<128xi32, #tpu.memory_space<hbm>>
      tpu.enqueue_dma source(%dma_start3A_20 : memref<128xi32, #tpu.memory_space<hbm>>) target(%arg9 : memref<128xi32, #tpu.memory_space<vmem>>) target_semaphore(%run_scoped3A : memref<!tpu.dma_semaphore, #tpu.memory_space<semaphore_mem>>)
      %dma_wait3A_21 = tpu.memref_slice %arg4[%mul3A_2] : memref<4096xi32, #tpu.memory_space<hbm>> -> memref<128xi32, #tpu.memory_space<hbm>>
      %dma_wait3A_22 = tpu.memref_slice %arg4[%mul3A_2] : memref<4096xi32, #tpu.memory_space<hbm>> -> memref<128xi32, #tpu.memory_space<hbm>>
      tpu.wait_dma2 semaphore(%run_scoped3A : memref<!tpu.dma_semaphore, #tpu.memory_space<semaphore_mem>>) src(%dma_wait3A_22 : memref<128xi32, #tpu.memory_space<hbm>>) dst(%arg9 : memref<128xi32, #tpu.memory_space<vmem>>)
      tpu.yield
    }) : () -> ()
    "tpu.region"() ({
      %run_scoped3A = tpu.sem_alloc : memref<!tpu.dma_semaphore, #tpu.memory_space<semaphore_mem>>
      %dma_start3A_19 = arith.constant 0 : i32
      %dma_start3A_20 = tpu.memref_slice %arg5[%mul3A_2, %dma_start3A_19] : memref<4096x128xf32, #tpu.memory_space<hbm>> -> memref<128x128xf32, #tpu.memory_space<hbm>>
      %dma_start3A_21 = arith.constant 0 : i32
      %dma_start3A_22 = tpu.memref_slice %arg5[%mul3A_2, %dma_start3A_21] : memref<4096x128xf32, #tpu.memory_space<hbm>> -> memref<128x128xf32, #tpu.memory_space<hbm>>
      tpu.enqueue_dma source(%dma_start3A_22 : memref<128x128xf32, #tpu.memory_space<hbm>>) target(%arg11 : memref<128x128xf32, #tpu.memory_space<vmem>>) target_semaphore(%run_scoped3A : memref<!tpu.dma_semaphore, #tpu.memory_space<semaphore_mem>>)
      %dma_wait3A_23 = arith.constant 0 : i32
      %dma_wait3A_24 = tpu.memref_slice %arg5[%mul3A_2, %dma_wait3A_23] : memref<4096x128xf32, #tpu.memory_space<hbm>> -> memref<128x128xf32, #tpu.memory_space<hbm>>
      %dma_wait3A_25 = arith.constant 0 : i32
      %dma_wait3A_26 = tpu.memref_slice %arg5[%mul3A_2, %dma_wait3A_25] : memref<4096x128xf32, #tpu.memory_space<hbm>> -> memref<128x128xf32, #tpu.memory_space<hbm>>
      tpu.wait_dma2 semaphore(%run_scoped3A : memref<!tpu.dma_semaphore, #tpu.memory_space<semaphore_mem>>) src(%dma_wait3A_26 : memref<128x128xf32, #tpu.memory_space<hbm>>) dst(%arg11 : memref<128x128xf32, #tpu.memory_space<vmem>>)
      tpu.yield
    }) : () -> ()
    %dma_start3A = arith.constant 0 : i32
    %dma_start3A_3 = arith.constant 0 : i32
    %dma_start3A_4 = tpu.memref_slice %arg2[%dma_start3A, %dma_start3A_3] : memref<2048x768xf32, #tpu.memory_space<hbm>> -> memref<2048x768xf32, #tpu.memory_space<hbm>>
    tpu.enqueue_indirect_dma source(%dma_start3A_4 : memref<2048x768xf32, #tpu.memory_space<hbm>>) target(%arg10 : memref<128x768xf32, #tpu.memory_space<vmem>>) offsets(%arg8 : memref<128xi32, #tpu.memory_space<vmem>>) semaphore(%arg12 : memref<!tpu.dma_semaphore, #tpu.memory_space<semaphore_mem>>)
    %dma_wait3A = arith.constant 0 : i32
    %dma_wait3A_5 = arith.constant 0 : i32
    %dma_wait3A_6 = tpu.memref_slice %arg2[%dma_wait3A, %dma_wait3A_5] : memref<2048x768xf32, #tpu.memory_space<hbm>> -> memref<2048x768xf32, #tpu.memory_space<hbm>>
    tpu.wait_indirect_dma semaphore(%arg12 : memref<!tpu.dma_semaphore, #tpu.memory_space<semaphore_mem>>) src(%dma_wait3A_6 : memref<2048x768xf32, #tpu.memory_space<hbm>>) dst(%arg10 : memref<128x768xf32, #tpu.memory_space<vmem>>)
    %dma_start3A_7 = arith.constant 0 : i32
    %dma_start3A_8 = arith.constant 0 : i32
    %dma_start3A_9 = tpu.memref_slice %arg6[%dma_start3A_7, %dma_start3A_8] : memref<6144x768xf32, #tpu.memory_space<hbm>> -> memref<6144x768xf32, #tpu.memory_space<hbm>>
    tpu.enqueue_indirect_dma source(%arg10 : memref<128x768xf32, #tpu.memory_space<vmem>>) target(%dma_start3A_9 : memref<6144x768xf32, #tpu.memory_space<hbm>>) offsets(%arg9 : memref<128xi32, #tpu.memory_space<vmem>>) semaphore(%arg12 : memref<!tpu.dma_semaphore, #tpu.memory_space<semaphore_mem>>)
    %dma_wait3A_10 = arith.constant 0 : i32
    %dma_wait3A_11 = arith.constant 0 : i32
    %dma_wait3A_12 = tpu.memref_slice %arg6[%dma_wait3A_10, %dma_wait3A_11] : memref<6144x768xf32, #tpu.memory_space<hbm>> -> memref<6144x768xf32, #tpu.memory_space<hbm>>
    tpu.wait_indirect_dma semaphore(%arg12 : memref<!tpu.dma_semaphore, #tpu.memory_space<semaphore_mem>>) src(%arg10 : memref<128x768xf32, #tpu.memory_space<vmem>>) dst(%dma_wait3A_12 : memref<6144x768xf32, #tpu.memory_space<hbm>>)
    %dma_start3A_13 = arith.constant 0 : i32
    %dma_start3A_14 = arith.constant 0 : i32
    %dma_start3A_15 = tpu.memref_slice %arg7[%dma_start3A_13, %dma_start3A_14] : memref<6144x128xf32, #tpu.memory_space<hbm>> -> memref<6144x128xf32, #tpu.memory_space<hbm>>
    tpu.enqueue_indirect_dma source(%arg11 : memref<128x128xf32, #tpu.memory_space<vmem>>) target(%dma_start3A_15 : memref<6144x128xf32, #tpu.memory_space<hbm>>) offsets(%arg9 : memref<128xi32, #tpu.memory_space<vmem>>) semaphore(%arg12 : memref<!tpu.dma_semaphore, #tpu.memory_space<semaphore_mem>>)
    %dma_wait3A_16 = arith.constant 0 : i32
    %dma_wait3A_17 = arith.constant 0 : i32
    %dma_wait3A_18 = tpu.memref_slice %arg7[%dma_wait3A_16, %dma_wait3A_17] : memref<6144x128xf32, #tpu.memory_space<hbm>> -> memref<6144x128xf32, #tpu.memory_space<hbm>>
    tpu.wait_indirect_dma semaphore(%arg12 : memref<!tpu.dma_semaphore, #tpu.memory_space<semaphore_mem>>) src(%arg11 : memref<128x128xf32, #tpu.memory_space<vmem>>) dst(%dma_wait3A_18 : memref<6144x128xf32, #tpu.memory_space<hbm>>)
    return
  }
}

#map = affine_map<(d0, d1) -> (0, 0)>
#map1 = affine_map<(d0, d1) -> (0)>
module attributes {stable_mosaic.version = 14 : i64} {
  func.func @combine_gather(%arg0: i32, %arg1: i32, %arg2: memref<6144x768xf32, #tpu.memory_space<hbm>>, %arg3: memref<4096xi32, #tpu.memory_space<hbm>>, %arg4: memref<4096x768xf32, #tpu.memory_space<hbm>>, %arg5: memref<128xi32, #tpu.memory_space<vmem>>, %arg6: memref<128x768xf32, #tpu.memory_space<vmem>>, %arg7: memref<!tpu.dma_semaphore, #tpu.memory_space<semaphore_mem>>) attributes {dimension_semantics = [#tpu.dimension_semantics<core_parallel>, #tpu.dimension_semantics<subcore_parallel>], iteration_bounds = array<i64: 2, 16>, scalar_prefetch = 0 : i64, scratch_operands = 3 : i64, tpu.core_type = #tpu.core_type<sc_vector_subcore>, window_params = [{transform_indices = #map}, {transform_indices = #map1}, {transform_indices = #map}]} {
    %mul3A = arith.constant 2 : i32
    %mul3A_0 = arith.muli %arg1, %mul3A : i32
    %add3A = arith.addi %mul3A_0, %arg0 : i32
    %mul3A_1 = arith.constant 128 : i32
    %mul3A_2 = arith.muli %add3A, %mul3A_1 : i32
    "tpu.region"() ({
      %run_scoped3A = tpu.sem_alloc : memref<!tpu.dma_semaphore, #tpu.memory_space<semaphore_mem>>
      %dma_start3A_7 = tpu.memref_slice %arg3[%mul3A_2] : memref<4096xi32, #tpu.memory_space<hbm>> -> memref<128xi32, #tpu.memory_space<hbm>>
      %dma_start3A_8 = tpu.memref_slice %arg3[%mul3A_2] : memref<4096xi32, #tpu.memory_space<hbm>> -> memref<128xi32, #tpu.memory_space<hbm>>
      tpu.enqueue_dma source(%dma_start3A_8 : memref<128xi32, #tpu.memory_space<hbm>>) target(%arg5 : memref<128xi32, #tpu.memory_space<vmem>>) target_semaphore(%run_scoped3A : memref<!tpu.dma_semaphore, #tpu.memory_space<semaphore_mem>>)
      %dma_wait3A_9 = tpu.memref_slice %arg3[%mul3A_2] : memref<4096xi32, #tpu.memory_space<hbm>> -> memref<128xi32, #tpu.memory_space<hbm>>
      %dma_wait3A_10 = tpu.memref_slice %arg3[%mul3A_2] : memref<4096xi32, #tpu.memory_space<hbm>> -> memref<128xi32, #tpu.memory_space<hbm>>
      tpu.wait_dma2 semaphore(%run_scoped3A : memref<!tpu.dma_semaphore, #tpu.memory_space<semaphore_mem>>) src(%dma_wait3A_10 : memref<128xi32, #tpu.memory_space<hbm>>) dst(%arg5 : memref<128xi32, #tpu.memory_space<vmem>>)
      tpu.yield
    }) : () -> ()
    %dma_start3A = arith.constant 0 : i32
    %dma_start3A_3 = arith.constant 0 : i32
    %dma_start3A_4 = tpu.memref_slice %arg2[%dma_start3A, %dma_start3A_3] : memref<6144x768xf32, #tpu.memory_space<hbm>> -> memref<6144x768xf32, #tpu.memory_space<hbm>>
    tpu.enqueue_indirect_dma source(%dma_start3A_4 : memref<6144x768xf32, #tpu.memory_space<hbm>>) target(%arg6 : memref<128x768xf32, #tpu.memory_space<vmem>>) offsets(%arg5 : memref<128xi32, #tpu.memory_space<vmem>>) semaphore(%arg7 : memref<!tpu.dma_semaphore, #tpu.memory_space<semaphore_mem>>)
    %dma_wait3A = arith.constant 0 : i32
    %dma_wait3A_5 = arith.constant 0 : i32
    %dma_wait3A_6 = tpu.memref_slice %arg2[%dma_wait3A, %dma_wait3A_5] : memref<6144x768xf32, #tpu.memory_space<hbm>> -> memref<6144x768xf32, #tpu.memory_space<hbm>>
    tpu.wait_indirect_dma semaphore(%arg7 : memref<!tpu.dma_semaphore, #tpu.memory_space<semaphore_mem>>) src(%dma_wait3A_6 : memref<6144x768xf32, #tpu.memory_space<hbm>>) dst(%arg6 : memref<128x768xf32, #tpu.memory_space<vmem>>)
    "tpu.region"() ({
      %run_scoped3A = tpu.sem_alloc : memref<!tpu.dma_semaphore, #tpu.memory_space<semaphore_mem>>
      %dma_start3A_7 = arith.constant 0 : i32
      %dma_start3A_8 = tpu.memref_slice %arg4[%mul3A_2, %dma_start3A_7] : memref<4096x768xf32, #tpu.memory_space<hbm>> -> memref<128x768xf32, #tpu.memory_space<hbm>>
      %dma_start3A_9 = arith.constant 0 : i32
      %dma_start3A_10 = tpu.memref_slice %arg4[%mul3A_2, %dma_start3A_9] : memref<4096x768xf32, #tpu.memory_space<hbm>> -> memref<128x768xf32, #tpu.memory_space<hbm>>
      tpu.enqueue_dma source(%arg6 : memref<128x768xf32, #tpu.memory_space<vmem>>) target(%dma_start3A_10 : memref<128x768xf32, #tpu.memory_space<hbm>>) target_semaphore(%run_scoped3A : memref<!tpu.dma_semaphore, #tpu.memory_space<semaphore_mem>>)
      %dma_wait3A_11 = arith.constant 0 : i32
      %dma_wait3A_12 = tpu.memref_slice %arg4[%mul3A_2, %dma_wait3A_11] : memref<4096x768xf32, #tpu.memory_space<hbm>> -> memref<128x768xf32, #tpu.memory_space<hbm>>
      %dma_wait3A_13 = arith.constant 0 : i32
      %dma_wait3A_14 = tpu.memref_slice %arg4[%mul3A_2, %dma_wait3A_13] : memref<4096x768xf32, #tpu.memory_space<hbm>> -> memref<128x768xf32, #tpu.memory_space<hbm>>
      tpu.wait_dma2 semaphore(%run_scoped3A : memref<!tpu.dma_semaphore, #tpu.memory_space<semaphore_mem>>) src(%arg6 : memref<128x768xf32, #tpu.memory_space<vmem>>) dst(%dma_wait3A_14 : memref<128x768xf32, #tpu.memory_space<hbm>>)
      tpu.yield
    }) : () -> ()
    return
  }
}

module attributes {stable_mosaic.version = 14 : i64} {
  func.func @_route_body(%arg0: memref<2048x768xf32, #tpu.memory_space<vmem>>, %arg1: memref<768x8xf32, #tpu.memory_space<vmem>>, %arg2: memref<2048x2xi32, #tpu.memory_space<vmem>>, %arg3: memref<2048x256xf32, #tpu.memory_space<vmem>>, %arg4: memref<1x128xi32, #tpu.memory_space<vmem>>, %arg5: memref<2048x8xf32, #tpu.memory_space<vmem>>, %arg6: memref<2048x8xf32, #tpu.memory_space<vmem>>) attributes {dimension_semantics = [], scalar_prefetch = 0 : i64, scratch_operands = 2 : i64, tpu.core_type = #tpu.core_type<tc>} {
    %get3A = arith.constant 0 : index
    %get3A_0 = arith.constant 0 : index
    %get3A_1 = vector.load %arg0[%get3A, %get3A_0] : memref<2048x768xf32, #tpu.memory_space<vmem>>, vector<2048x768xf32>
    %get3A_2 = arith.constant 0 : index
    %get3A_3 = arith.constant 0 : index
    %get3A_4 = vector.load %arg1[%get3A_2, %get3A_3] : memref<768x8xf32, #tpu.memory_space<vmem>>, vector<768x8xf32>
    %dot_general3A = arith.constant dense<0.000000e+00> : vector<2048x8xf32>
    %dot_general3A_5 = tpu.matmul %get3A_1, %get3A_4, %dot_general3A {dimension_numbers = #tpu.dot_dimension_numbers<[1], [0], [0], [1], [0, 0, 1, 1], [], []>, transpose_lhs_hint = false} : vector<2048x768xf32>, vector<768x8xf32>, vector<2048x8xf32> -> vector<2048x8xf32>
    %iota3A = tpu.iota {dimensions = array<i32: 1>} : vector<2048x8xi32>
    %reduce_max3A = arith.constant dense<0xFF800000> : vector<2048xf32>
    %reduce_max3A_6 = vector.multi_reduction <maximumf>, %dot_general3A_5, %reduce_max3A [1] : vector<2048x8xf32> to vector<2048xf32>
    %broadcast_in_dim3A = vector.shape_cast %reduce_max3A_6 : vector<2048xf32> to vector<2048x1xf32>
    %eq3A = vector.broadcast %broadcast_in_dim3A : vector<2048x1xf32> to vector<2048x8xf32>
    %eq3A_7 = arith.cmpf oeq, %dot_general3A_5, %eq3A : vector<2048x8xf32>
    %jit3A = arith.constant 8 : i32
    %broadcast_in_dim3A_8 = vector.broadcast %jit3A : i32 to vector<2048x8xi32>
    %select_n3A = arith.select %eq3A_7, %iota3A, %broadcast_in_dim3A_8 : vector<2048x8xi1>, vector<2048x8xi32>
    %reduce_min3A = arith.constant dense<2147483647> : vector<2048xi32>
    %reduce_min3A_9 = vector.multi_reduction <minsi>, %select_n3A, %reduce_min3A [1] : vector<2048x8xi32> to vector<2048xi32>
    %broadcast_in_dim3A_10 = vector.shape_cast %reduce_min3A_9 : vector<2048xi32> to vector<2048x1xi32>
    %eq3A_11 = vector.broadcast %broadcast_in_dim3A_10 : vector<2048x1xi32> to vector<2048x8xi32>
    %eq3A_12 = arith.cmpi eq, %iota3A, %eq3A_11 : vector<2048x8xi32>
    %jit3A_13 = arith.constant 0xFF800000 : f32
    %broadcast_in_dim3A_14 = vector.broadcast %jit3A_13 : f32 to vector<2048x8xf32>
    %select_n3A_15 = arith.select %eq3A_12, %broadcast_in_dim3A_14, %dot_general3A_5 : vector<2048x8xi1>, vector<2048x8xf32>
    %reduce_max3A_16 = arith.constant dense<0xFF800000> : vector<2048xf32>
    %reduce_max3A_17 = vector.multi_reduction <maximumf>, %select_n3A_15, %reduce_max3A_16 [1] : vector<2048x8xf32> to vector<2048xf32>
    %broadcast_in_dim3A_18 = vector.shape_cast %reduce_max3A_17 : vector<2048xf32> to vector<2048x1xf32>
    %eq3A_19 = vector.broadcast %broadcast_in_dim3A_18 : vector<2048x1xf32> to vector<2048x8xf32>
    %eq3A_20 = arith.cmpf oeq, %select_n3A_15, %eq3A_19 : vector<2048x8xf32>
    %jit3A_21 = arith.constant 8 : i32
    %broadcast_in_dim3A_22 = vector.broadcast %jit3A_21 : i32 to vector<2048x8xi32>
    %select_n3A_23 = arith.select %eq3A_20, %iota3A, %broadcast_in_dim3A_22 : vector<2048x8xi1>, vector<2048x8xi32>
    %reduce_min3A_24 = arith.constant dense<2147483647> : vector<2048xi32>
    %reduce_min3A_25 = vector.multi_reduction <minsi>, %select_n3A_23, %reduce_min3A_24 [1] : vector<2048x8xi32> to vector<2048xi32>
    %broadcast_in_dim3A_26 = vector.shape_cast %reduce_min3A_25 : vector<2048xi32> to vector<2048x1xi32>
    %sub3A = arith.subf %broadcast_in_dim3A_18, %broadcast_in_dim3A : vector<2048x1xf32>
    %exp3A = math.exp %sub3A : vector<2048x1xf32>
    %add3A = arith.constant 1.000000e+00 : f32
    %add3A_27 = vector.broadcast %add3A : f32 to vector<2048x1xf32>
    %add3A_28 = arith.addf %add3A_27, %exp3A : vector<2048x1xf32>
    %div3A = arith.constant 1.000000e+00 : f32
    %div3A_29 = vector.broadcast %div3A : f32 to vector<2048x1xf32>
    %div3A_30 = arith.divf %div3A_29, %add3A_28 : vector<2048x1xf32>
    %sub3A_31 = arith.constant 1.000000e+00 : f32
    %sub3A_32 = vector.broadcast %sub3A_31 : f32 to vector<2048x1xf32>
    %sub3A_33 = arith.subf %sub3A_32, %div3A_30 : vector<2048x1xf32>
    %eq3A_34 = vector.broadcast %broadcast_in_dim3A_10 : vector<2048x1xi32> to vector<2048x8xi32>
    %eq3A_35 = arith.cmpi eq, %iota3A, %eq3A_34 : vector<2048x8xi32>
    %convert_element_type3A = arith.extui %eq3A_35 : vector<2048x8xi1> to vector<2048x8xi32>
    %convert_element_type3A_36 = arith.sitofp %convert_element_type3A : vector<2048x8xi32> to vector<2048x8xf32>
    %eq3A_37 = vector.broadcast %broadcast_in_dim3A_26 : vector<2048x1xi32> to vector<2048x8xi32>
    %eq3A_38 = arith.cmpi eq, %iota3A, %eq3A_37 : vector<2048x8xi32>
    %convert_element_type3A_39 = arith.extui %eq3A_38 : vector<2048x8xi1> to vector<2048x8xi32>
    %convert_element_type3A_40 = arith.sitofp %convert_element_type3A_39 : vector<2048x8xi32> to vector<2048x8xf32>
    %add3A_41 = arith.addf %convert_element_type3A_36, %convert_element_type3A_40 : vector<2048x8xf32>
    %swap3A = arith.constant 0 : index
    %swap3A_42 = arith.constant 0 : index
    %swap3A_43 = vector.load %arg5[%swap3A, %swap3A_42] : memref<2048x8xf32, #tpu.memory_space<vmem>>, vector<2048x8xf32>
    tpu.vector_store %arg5[%swap3A, %swap3A_42], %add3A_41 {strides = array<i32>} : memref<2048x8xf32, #tpu.memory_space<vmem>>, vector<2048x8xf32>,
    %iota3A_44 = tpu.iota {dimensions = array<i32: 0>} : vector<512x512xi32>
    %iota3A_45 = tpu.iota {dimensions = array<i32: 1>} : vector<512x512xi32>
    %gt3A = arith.cmpi sgt, %iota3A_44, %iota3A_45 : vector<512x512xi32>
    %convert_element_type3A_46 = arith.extui %gt3A : vector<512x512xi1> to vector<512x512xi32>
    %convert_element_type3A_47 = arith.sitofp %convert_element_type3A_46 : vector<512x512xi32> to vector<512x512xf32>
    %broadcast_in_dim3A_48 = arith.constant 0.000000e+00 : f32
    %broadcast_in_dim3A_49 = vector.broadcast %broadcast_in_dim3A_48 : f32 to vector<1x8xf32>
    %scan3A = arith.constant 0 : i32
    %scan3A_50 = arith.constant 4 : i32
    %scan3A_51 = arith.addi %scan3A, %scan3A_50 : i32
    %scan3A_52 = arith.constant 1 : i32
    %scan3A_53 = scf.for %scan3A_128 = %scan3A to %scan3A_51 step %scan3A_52 iter_args(%scan3A_129 = %broadcast_in_dim3A_49) -> (vector<1x8xf32>)  : i32 {
      %mul3A_130 = arith.constant 512 : i32
      %mul3A_131 = arith.muli %scan3A_128, %mul3A_130 : i32
      %get3A_132 = arith.index_cast %mul3A_131 : i32 to index
      %get3A_133 = arith.constant 0 : index
      %get3A_134 = vector.load %arg5[%get3A_132, %get3A_133] : memref<2048x8xf32, #tpu.memory_space<vmem>>, vector<512x8xf32>
      %dot_general3A_135 = arith.constant dense<0.000000e+00> : vector<512x8xf32>
      %dot_general3A_136 = tpu.matmul %convert_element_type3A_47, %get3A_134, %dot_general3A_135 {dimension_numbers = #tpu.dot_dimension_numbers<[1], [0], [0], [1], [0, 0, 1, 1], [], []>, transpose_lhs_hint = false} : vector<512x512xf32>, vector<512x8xf32>, vector<512x8xf32> -> vector<512x8xf32>
      %add3A_137 = vector.broadcast %scan3A_129 : vector<1x8xf32> to vector<512x8xf32>
      %add3A_138 = arith.addf %dot_general3A_136, %add3A_137 : vector<512x8xf32>
      %swap3A_139 = arith.index_cast %mul3A_131 : i32 to index
      %swap3A_140 = arith.constant 0 : index
      %swap3A_141 = vector.load %arg6[%swap3A_139, %swap3A_140] : memref<2048x8xf32, #tpu.memory_space<vmem>>, vector<512x8xf32>
      tpu.vector_store %arg6[%swap3A_139, %swap3A_140], %add3A_138 {strides = array<i32>} : memref<2048x8xf32, #tpu.memory_space<vmem>>, vector<512x8xf32>,
      %reduce_sum3A_142 = arith.constant dense<0.000000e+00> : vector<8xf32>
      %reduce_sum3A_143 = vector.multi_reduction <add>, %get3A_134, %reduce_sum3A_142 [0] : vector<512x8xf32> to vector<8xf32>
      %broadcast_in_dim3A_144 = vector.shape_cast %reduce_sum3A_143 : vector<8xf32> to vector<1x8xf32>
      %add3A_145 = arith.addf %scan3A_129, %broadcast_in_dim3A_144 : vector<1x8xf32>
      scf.yield %add3A_145 : vector<1x8xf32>
    }
    %scan3A_54 = arith.constant 4 : i32
    %add3A_55 = arith.constant 2.550000e+02 : f32
    %add3A_56 = vector.broadcast %add3A_55 : f32 to vector<1x8xf32>
    %add3A_57 = arith.addf %scan3A_53, %add3A_56 : vector<1x8xf32>
    %mul3A = arith.constant 3.906250e-03 : f32
    %mul3A_58 = vector.broadcast %mul3A : f32 to vector<1x8xf32>
    %mul3A_59 = arith.mulf %add3A_57, %mul3A_58 : vector<1x8xf32>
    %floor3A = math.floor %mul3A_59 : vector<1x8xf32>
    %iota3A_60 = tpu.iota {dimensions = array<i32: 0>} : vector<8x8xi32>
    %iota3A_61 = tpu.iota {dimensions = array<i32: 1>} : vector<8x8xi32>
    %broadcast_in_dim3A_62 = arith.constant 1.000000e+00 : f32
    %broadcast_in_dim3A_63 = vector.broadcast %broadcast_in_dim3A_62 : f32 to vector<8x1xf32>
    %dot_general3A_64 = arith.constant dense<0.000000e+00> : vector<8x8xf32>
    %dot_general3A_65 = tpu.matmul %broadcast_in_dim3A_63, %floor3A, %dot_general3A_64 {dimension_numbers = #tpu.dot_dimension_numbers<[1], [0], [0], [1], [0, 0, 1, 1], [], []>, transpose_lhs_hint = false} : vector<8x1xf32>, vector<1x8xf32>, vector<8x8xf32> -> vector<8x8xf32>
    %eq3A_66 = arith.cmpi eq, %iota3A_60, %iota3A_61 : vector<8x8xi32>
    %jit3A_67 = arith.constant 0.000000e+00 : f32
    %broadcast_in_dim3A_68 = vector.broadcast %jit3A_67 : f32 to vector<8x8xf32>
    %select_n3A_69 = arith.select %eq3A_66, %dot_general3A_65, %broadcast_in_dim3A_68 : vector<8x8xi1>, vector<8x8xf32>
    %reduce_sum3A = arith.constant dense<0.000000e+00> : vector<8xf32>
    %reduce_sum3A_70 = vector.multi_reduction <add>, %select_n3A_69, %reduce_sum3A [1] : vector<8x8xf32> to vector<8xf32>
    %broadcast_in_dim3A_71 = vector.shape_cast %reduce_sum3A_70 : vector<8xf32> to vector<8x1xf32>
    %ge3A = arith.cmpi sge, %iota3A_60, %iota3A_61 : vector<8x8xi32>
    %convert_element_type3A_72 = arith.extui %ge3A : vector<8x8xi1> to vector<8x8xi32>
    %convert_element_type3A_73 = arith.sitofp %convert_element_type3A_72 : vector<8x8xi32> to vector<8x8xf32>
    %dot_general3A_74 = arith.constant dense<0.000000e+00> : vector<8x1xf32>
    %dot_general3A_75 = tpu.matmul %convert_element_type3A_73, %broadcast_in_dim3A_71, %dot_general3A_74 {dimension_numbers = #tpu.dot_dimension_numbers<[1], [0], [0], [1], [0, 0, 1, 1], [], []>, transpose_lhs_hint = false} : vector<8x8xf32>, vector<8x1xf32>, vector<8x1xf32> -> vector<8x1xf32>
    %iota3A_76 = tpu.iota {dimensions = array<i32: 1>} : vector<8x128xi32>
    %convert_element_type3A_77 = arith.fptosi %dot_general3A_75 : vector<8x1xf32> to vector<8x1xi32>
    %ge3A_78 = vector.broadcast %convert_element_type3A_77 : vector<8x1xi32> to vector<8x128xi32>
    %ge3A_79 = arith.cmpi sge, %iota3A_76, %ge3A_78 : vector<8x128xi32>
    %convert_element_type3A_80 = arith.extui %ge3A_79 : vector<8x128xi1> to vector<8x128xi32>
    %reduce_sum3A_81 = arith.constant dense<0> : vector<128xi32>
    %reduce_sum3A_82 = vector.multi_reduction <add>, %convert_element_type3A_80, %reduce_sum3A_81 [0] : vector<8x128xi32> to vector<128xi32>
    %broadcast_in_dim3A_83 = vector.shape_cast %reduce_sum3A_82 : vector<128xi32> to vector<1x128xi32>
    %min3A = arith.constant 7 : i32
    %min3A_84 = vector.broadcast %min3A : i32 to vector<1x128xi32>
    %min3A_85 = arith.minsi %broadcast_in_dim3A_83, %min3A_84 : vector<1x128xi32>
    %swap3A_86 = arith.constant 0 : index
    %swap3A_87 = arith.constant 0 : index
    %swap3A_88 = vector.load %arg4[%swap3A_86, %swap3A_87] : memref<1x128xi32, #tpu.memory_space<vmem>>, vector<1x128xi32>
    tpu.vector_store %arg4[%swap3A_86, %swap3A_87], %min3A_85 {strides = array<i32>} : memref<1x128xi32, #tpu.memory_space<vmem>>, vector<1x128xi32>,
    %lt3A = arith.cmpi slt, %iota3A_60, %iota3A_61 : vector<8x8xi32>
    %convert_element_type3A_89 = arith.extui %lt3A : vector<8x8xi1> to vector<8x8xi32>
    %convert_element_type3A_90 = arith.sitofp %convert_element_type3A_89 : vector<8x8xi32> to vector<8x8xf32>
    %dot_general3A_91 = arith.constant dense<0.000000e+00> : vector<1x8xf32>
    %dot_general3A_92 = tpu.matmul %floor3A, %convert_element_type3A_90, %dot_general3A_91 {dimension_numbers = #tpu.dot_dimension_numbers<[1], [0], [0], [1], [0, 0, 1, 1], [], []>, transpose_lhs_hint = false} : vector<1x8xf32>, vector<8x8xf32>, vector<1x8xf32> -> vector<1x8xf32>
    %mul3A_93 = arith.constant 2.560000e+02 : f32
    %mul3A_94 = vector.broadcast %mul3A_93 : f32 to vector<1x8xf32>
    %mul3A_95 = arith.mulf %dot_general3A_92, %mul3A_94 : vector<1x8xf32>
    %get3A_96 = arith.constant 0 : index
    %get3A_97 = arith.constant 0 : index
    %get3A_98 = vector.load %arg6[%get3A_96, %get3A_97] : memref<2048x8xf32, #tpu.memory_space<vmem>>, vector<2048x8xf32>
    %add3A_99 = vector.broadcast %mul3A_95 : vector<1x8xf32> to vector<2048x8xf32>
    %add3A_100 = arith.addf %get3A_98, %add3A_99 : vector<2048x8xf32>
    %mul3A_101 = arith.mulf %convert_element_type3A_36, %add3A_100 : vector<2048x8xf32>
    %reduce_sum3A_102 = arith.constant dense<0.000000e+00> : vector<2048xf32>
    %reduce_sum3A_103 = vector.multi_reduction <add>, %mul3A_101, %reduce_sum3A_102 [1] : vector<2048x8xf32> to vector<2048xf32>
    %broadcast_in_dim3A_104 = vector.shape_cast %reduce_sum3A_103 : vector<2048xf32> to vector<2048x1xf32>
    %add3A_105 = vector.broadcast %mul3A_95 : vector<1x8xf32> to vector<2048x8xf32>
    %add3A_106 = arith.addf %get3A_98, %add3A_105 : vector<2048x8xf32>
    %mul3A_107 = arith.mulf %convert_element_type3A_40, %add3A_106 : vector<2048x8xf32>
    %reduce_sum3A_108 = arith.constant dense<0.000000e+00> : vector<2048xf32>
    %reduce_sum3A_109 = vector.multi_reduction <add>, %mul3A_107, %reduce_sum3A_108 [1] : vector<2048x8xf32> to vector<2048xf32>
    %broadcast_in_dim3A_110 = vector.shape_cast %reduce_sum3A_109 : vector<2048xf32> to vector<2048x1xf32>
    %convert_element_type3A_111 = arith.fptosi %broadcast_in_dim3A_104 : vector<2048x1xf32> to vector<2048x1xi32>
    %convert_element_type3A_112 = arith.fptosi %broadcast_in_dim3A_110 : vector<2048x1xf32> to vector<2048x1xi32>
    %concatenate3A = tpu.concatenate %convert_element_type3A_111, %convert_element_type3A_112 in 1 : vector<2048x1xi32>, vector<2048x1xi32> -> vector<2048x2xi32>
    %swap3A_113 = arith.constant 0 : index
    %swap3A_114 = arith.constant 0 : index
    %swap3A_115 = vector.load %arg2[%swap3A_113, %swap3A_114] : memref<2048x2xi32, #tpu.memory_space<vmem>>, vector<2048x2xi32>
    tpu.vector_store %arg2[%swap3A_113, %swap3A_114], %concatenate3A {strides = array<i32>} : memref<2048x2xi32, #tpu.memory_space<vmem>>, vector<2048x2xi32>,
    %iota3A_116 = tpu.iota {dimensions = array<i32: 1>} : vector<2048x256xi32>
    %lt3A_117 = arith.constant 128 : i32
    %lt3A_118 = vector.broadcast %lt3A_117 : i32 to vector<2048x256xi32>
    %lt3A_119 = arith.cmpi slt, %iota3A_116, %lt3A_118 : vector<2048x256xi32>
    %broadcast_in_dim3A_120 = vector.shape_cast %div3A_30 : vector<2048x1xf32> to vector<2048x1xf32>
    %broadcast_in_dim3A_121 = vector.broadcast %broadcast_in_dim3A_120 : vector<2048x1xf32> to vector<2048x256xf32>
    %broadcast_in_dim3A_122 = vector.shape_cast %sub3A_33 : vector<2048x1xf32> to vector<2048x1xf32>
    %broadcast_in_dim3A_123 = vector.broadcast %broadcast_in_dim3A_122 : vector<2048x1xf32> to vector<2048x256xf32>
    %select_n3A_124 = arith.select %lt3A_119, %broadcast_in_dim3A_121, %broadcast_in_dim3A_123 : vector<2048x256xi1>, vector<2048x256xf32>
    %swap3A_125 = arith.constant 0 : index
    %swap3A_126 = arith.constant 0 : index
    %swap3A_127 = vector.load %arg3[%swap3A_125, %swap3A_126] : memref<2048x256xf32, #tpu.memory_space<vmem>>, vector<2048x256xf32>
    tpu.vector_store %arg3[%swap3A_125, %swap3A_126], %select_n3A_124 {strides = array<i32>} : memref<2048x256xf32, #tpu.memory_space<vmem>>, vector<2048x256xf32>,
    return
  }
}

module attributes {stable_mosaic.version = 14 : i64} {
  func.func @_mlp_body(%arg0: i32, %arg1: memref<24xi32, #tpu.memory_space<smem>>, %arg2: memref<256x768xf32, #tpu.memory_space<vmem>>, %arg3: memref<256x128xf32, #tpu.memory_space<vmem>>, %arg4: memref<768x512xf32, #tpu.memory_space<vmem>>, %arg5: memref<512x768xf32, #tpu.memory_space<vmem>>, %arg6: memref<256x768xf32, #tpu.memory_space<vmem>>) attributes {dimension_semantics = [#tpu.dimension_semantics<arbitrary>], iteration_bounds = array<i64: 24>, scalar_prefetch = 1 : i64, scratch_operands = 0 : i64, tpu.core_type = #tpu.core_type<tc>, window_params = [{transform_indices = @transform_0, window_bounds = array<i64: 256, 768>}, {transform_indices = @transform_1, window_bounds = array<i64: 256, 128>}, {transform_indices = @transform_2, window_bounds = array<i64: 768, 512>}, {transform_indices = @transform_3, window_bounds = array<i64: 512, 768>}, {transform_indices = @transform_4, window_bounds = array<i64: 256, 768>}]} {
    %get3A = arith.constant 0 : index
    %get3A_0 = arith.constant 0 : index
    %get3A_1 = vector.load %arg2[%get3A, %get3A_0] : memref<256x768xf32, #tpu.memory_space<vmem>>, vector<256x768xf32>
    %convert_element_type3A = arith.truncf %get3A_1 : vector<256x768xf32> to vector<256x768xbf16>
    %get3A_2 = arith.constant 0 : index
    %get3A_3 = arith.constant 0 : index
    %get3A_4 = vector.load %arg4[%get3A_2, %get3A_3] : memref<768x512xf32, #tpu.memory_space<vmem>>, vector<768x512xf32>
    %convert_element_type3A_5 = arith.truncf %get3A_4 : vector<768x512xf32> to vector<768x512xbf16>
    %dot_general3A = arith.constant dense<0.000000e+00> : vector<256x512xf32>
    %dot_general3A_6 = tpu.matmul %convert_element_type3A, %convert_element_type3A_5, %dot_general3A {dimension_numbers = #tpu.dot_dimension_numbers<[1], [0], [0], [1], [0, 0, 1, 1], [], []>, transpose_lhs_hint = false} : vector<256x768xbf16>, vector<768x512xbf16>, vector<256x512xf32> -> vector<256x512xf32>
    %mul3A = arith.constant 5.000000e-01 : f32
    %mul3A_7 = vector.broadcast %mul3A : f32 to vector<256x512xf32>
    %mul3A_8 = arith.mulf %mul3A_7, %dot_general3A_6 : vector<256x512xf32>
    %mul3A_9 = arith.constant 0.707106769 : f32
    %mul3A_10 = vector.broadcast %mul3A_9 : f32 to vector<256x512xf32>
    %mul3A_11 = arith.mulf %dot_general3A_6, %mul3A_10 : vector<256x512xf32>
    %erf3A = math.erf %mul3A_11 : vector<256x512xf32>
    %add3A = arith.constant 1.000000e+00 : f32
    %add3A_12 = vector.broadcast %add3A : f32 to vector<256x512xf32>
    %add3A_13 = arith.addf %add3A_12, %erf3A : vector<256x512xf32>
    %mul3A_14 = arith.mulf %mul3A_8, %add3A_13 : vector<256x512xf32>
    %convert_element_type3A_15 = arith.truncf %mul3A_14 : vector<256x512xf32> to vector<256x512xbf16>
    %get3A_16 = arith.constant 0 : index
    %get3A_17 = arith.constant 0 : index
    %get3A_18 = vector.load %arg5[%get3A_16, %get3A_17] : memref<512x768xf32, #tpu.memory_space<vmem>>, vector<512x768xf32>
    %convert_element_type3A_19 = arith.truncf %get3A_18 : vector<512x768xf32> to vector<512x768xbf16>
    %dot_general3A_20 = arith.constant dense<0.000000e+00> : vector<256x768xf32>
    %dot_general3A_21 = tpu.matmul %convert_element_type3A_15, %convert_element_type3A_19, %dot_general3A_20 {dimension_numbers = #tpu.dot_dimension_numbers<[1], [0], [0], [1], [0, 0, 1, 1], [], []>, transpose_lhs_hint = false} : vector<256x512xbf16>, vector<512x768xbf16>, vector<256x768xf32> -> vector<256x768xf32>
    %get3A_22 = arith.constant 0 : index
    %get3A_23 = arith.constant 0 : index
    %get3A_24 = vector.load %arg3[%get3A_22, %get3A_23] : memref<256x128xf32, #tpu.memory_space<vmem>>, vector<256x1xf32>
    %mul3A_25 = vector.broadcast %get3A_24 : vector<256x1xf32> to vector<256x768xf32>
    %mul3A_26 = arith.mulf %dot_general3A_21, %mul3A_25 : vector<256x768xf32>
    %swap3A = arith.constant 0 : index
    %swap3A_27 = arith.constant 0 : index
    %swap3A_28 = vector.load %arg6[%swap3A, %swap3A_27] : memref<256x768xf32, #tpu.memory_space<vmem>>, vector<256x768xf32>
    tpu.vector_store %arg6[%swap3A, %swap3A_27], %mul3A_26 {strides = array<i32>} : memref<256x768xf32, #tpu.memory_space<vmem>>, vector<256x768xf32>,
    return
  }
  func.func @transform_0(%arg0: i32, %arg1: memref<24xi32, #tpu.memory_space<smem>>) -> (i32, i32) {
    %c0_i32 = arith.constant 0 : i32
    %c0_i32_0 = arith.constant 0 : i32
    return %arg0, %c0_i32 : i32, i32
  }
  func.func @transform_1(%arg0: i32, %arg1: memref<24xi32, #tpu.memory_space<smem>>) -> (i32, i32) {
    %c0_i32 = arith.constant 0 : i32
    %c0_i32_0 = arith.constant 0 : i32
    return %arg0, %c0_i32 : i32, i32
  }
  func.func @transform_2(%arg0: i32, %arg1: memref<24xi32, #tpu.memory_space<smem>>) -> (i32, i32) {
    %get3A = arith.index_cast %arg0 : i32 to index
    %get3A_0 = memref.load %arg1[%get3A] : memref<24xi32, #tpu.memory_space<smem>>
    %c0_i32 = arith.constant 0 : i32
    %c0_i32_1 = arith.constant 0 : i32
    return %c0_i32, %get3A_0 : i32, i32
  }
  func.func @transform_3(%arg0: i32, %arg1: memref<24xi32, #tpu.memory_space<smem>>) -> (i32, i32) {
    %get3A = arith.index_cast %arg0 : i32 to index
    %get3A_0 = memref.load %arg1[%get3A] : memref<24xi32, #tpu.memory_space<smem>>
    %c0_i32 = arith.constant 0 : i32
    %c0_i32_1 = arith.constant 0 : i32
    return %get3A_0, %c0_i32 : i32, i32
  }
  func.func @transform_4(%arg0: i32, %arg1: memref<24xi32, #tpu.memory_space<smem>>) -> (i32, i32) {
    %c0_i32 = arith.constant 0 : i32
    %c0_i32_0 = arith.constant 0 : i32
    return %arg0, %c0_i32 : i32, i32
  }
}

module attributes {stable_mosaic.version = 14 : i64} {
  func.func @_pair_add_body(%arg0: i32, %arg1: memref<1024x768xf32, #tpu.memory_space<vmem>>, %arg2: memref<512x768xf32, #tpu.memory_space<vmem>>) attributes {dimension_semantics = [#tpu.dimension_semantics<arbitrary>], iteration_bounds = array<i64: 4>, scalar_prefetch = 0 : i64, scratch_operands = 0 : i64, tpu.core_type = #tpu.core_type<tc>, window_params = [{transform_indices = @transform_0, window_bounds = array<i64: 1024, 768>}, {transform_indices = @transform_1, window_bounds = array<i64: 512, 768>}]} {
    %iota3A = tpu.iota {dimensions = array<i32: 0>} : vector<512x1024xi32>
    %iota3A_0 = tpu.iota {dimensions = array<i32: 1>} : vector<512x1024xi32>
    %mul3A = arith.constant 2 : i32
    %mul3A_1 = vector.broadcast %mul3A : i32 to vector<512x1024xi32>
    %mul3A_2 = arith.muli %mul3A_1, %iota3A : vector<512x1024xi32>
    %eq3A = arith.cmpi eq, %iota3A_0, %mul3A_2 : vector<512x1024xi32>
    %mul3A_3 = arith.constant 2 : i32
    %mul3A_4 = vector.broadcast %mul3A_3 : i32 to vector<512x1024xi32>
    %mul3A_5 = arith.muli %mul3A_4, %iota3A : vector<512x1024xi32>
    %add3A = arith.constant 1 : i32
    %add3A_6 = vector.broadcast %add3A : i32 to vector<512x1024xi32>
    %add3A_7 = arith.addi %mul3A_5, %add3A_6 : vector<512x1024xi32>
    %eq3A_8 = arith.cmpi eq, %iota3A_0, %add3A_7 : vector<512x1024xi32>
    %or3A = arith.ori %eq3A, %eq3A_8 : vector<512x1024xi1>
    %convert_element_type3A = arith.extui %or3A : vector<512x1024xi1> to vector<512x1024xi32>
    %convert_element_type3A_9 = arith.sitofp %convert_element_type3A : vector<512x1024xi32> to vector<512x1024xf32>
    %get3A = arith.constant 0 : index
    %get3A_10 = arith.constant 0 : index
    %get3A_11 = vector.load %arg1[%get3A, %get3A_10] : memref<1024x768xf32, #tpu.memory_space<vmem>>, vector<1024x768xf32>
    %dot_general3A = arith.constant dense<0.000000e+00> : vector<512x768xf32>
    %dot_general3A_12 = tpu.matmul %convert_element_type3A_9, %get3A_11, %dot_general3A {dimension_numbers = #tpu.dot_dimension_numbers<[1], [0], [0], [1], [0, 0, 1, 1], [], []>, transpose_lhs_hint = false} : vector<512x1024xf32>, vector<1024x768xf32>, vector<512x768xf32> -> vector<512x768xf32>
    %swap3A = arith.constant 0 : index
    %swap3A_13 = arith.constant 0 : index
    %swap3A_14 = vector.load %arg2[%swap3A, %swap3A_13] : memref<512x768xf32, #tpu.memory_space<vmem>>, vector<512x768xf32>
    tpu.vector_store %arg2[%swap3A, %swap3A_13], %dot_general3A_12 {strides = array<i32>} : memref<512x768xf32, #tpu.memory_space<vmem>>, vector<512x768xf32>,
    return
  }
  func.func @transform_0(%arg0: i32) -> (i32, i32) {
    %c0_i32 = arith.constant 0 : i32
    %c0_i32_0 = arith.constant 0 : i32
    return %arg0, %c0_i32 : i32, i32
  }
  func.func @transform_1(%arg0: i32) -> (i32, i32) {
    %c0_i32 = arith.constant 0 : i32
    %c0_i32_0 = arith.constant 0 : i32
    return %arg0, %c0_i32 : i32, i32
  }
}

</mosaic_0001>

<sc_bundles>
// kernel: kernel.10.cloned.1.call-start
scs
__scs_entry_jumppad:
0x0: {  	(pc) =	sbr.rel $0x88, $3  }
0x1: {  	(tag) =	ssettag $0x0;
	lr =	simm.s32 $0x1  }
0x2: {  	[smem:$0x3F9D] =	sst lr;
	_ =	strace $0xD0000000  }
0x3: {  	_ = 	snop  }
0x4: {  	_ = 	snop  }
0x5: {  	_ = 	snop  }
0x6: {  	_ = 	snop  }
0x7: {  	_ = 	snop  }
__scs_overlays_trampoline_lowered:
0x8: {  	[smem:$0x3FAC] =	sst s0  }
0x9: {  	[smem:$0x3FAD] =	sst s1  }
0xa: {  	[smem:$0x3FAE] =	sst s2  }
0xb: {  	[smem:$0x3FAF] =	sst s3  }
0xc: {  	[smem:$0x3FB0] =	sst s4  }
0xd: {  	[smem:$0x3FB1] =	sst s5  }
0xe: {  	[smem:$0x3FB2] =	sst s6  }
0xf: {  	[smem:$0x3FB3] =	sst s7  }
0x10: {  	[smem:$0x3FB4] =	sst s8  }
0x11: {  	[smem:$0x3FB5] =	sst s9;
	s0 =	simm.s32 @!p0 $0x0  }
0x12: {  	s1 =	sld [smem:$0x3F9B];
	s0 =	simm.s32 @p0 $0x1  }
0x13: {  	[smem:$0x3FB6] =	sst s0;
	s0 =	simm.s32 @!p1 $0x0  }
0x14: {  	s2 =	sld [smem:$0x3F9A];
	s0 =	simm.s32 @p1 $0x1  }
0x15: {  	[smem:$0x3FB7] =	sst s0;
	s0 =	simm.s32 @!p2 $0x0  }
0x16: {  	s3 =	sld [smem:$0x3FDB];
	s0 =	simm.s32 @p2 $0x1  }
0x17: {  	s4 =	simm.s32 $0x1BF5;
	[smem:$0x3FB9] =	sst s0  }
0x18: {  	s0 =	sld [smem:$0x3F9C];
	_ =	swait.ge [sflag:s4], $0x0  }
0x19: {  	s7 =	sld [smem:$0x3F9D]  }
0x1a: {  	s8 =	sadd.s32 $0xFFFFE003, lr  }
0x1b: {  	s9 =	sadd.s32 $0xFFFFFEF7, lr;
	s5 =	simm.s32 $0xFFFFFFFF;
	p2 =	slt.u32 s8, $0xFFFFF086  }
0x1c: {  	p1 =	slt.u32 s9, $0xF7A;
	s5 =	simm.s32 @!p2 $0x0  }
0x1d: {  	s5 =	simm.s32 @p1 $0x1;
	p0 =	seq.s32 s7, s2  }
0x1e: {  	s7 =	smul.u32 @!p0 $0xF7A, s2;
	p2 =	seq.s32 @!p0 s5, $0x0  }
0x1f: {  	s9 =	smul.u32 $0xF7A, s1;
	s8 =	simm.s32 @!p0 $0x1BF5;
	p2 =	por !p2, p0  }
0x20: {  	[sflag:s8] =	ssyncset.s32 @!p0 $0xFFFFF086;
	s6 =	sadd.s32 @!p0 s3, s7;
	s7 =	simm.s32 @!p0 $0x108  }
0x21: {  	s3 =	sadd.s32 s3, s9;
	s6 =	sadd.s32 @!p0 $0x88, s6;
	s7 =	simm.s32 @p2 $0x1082  }
0x22: {  	[simem:s7], [sflag:s8] =	dma.local @!p0 [hbm:s6], $0xF7A  }
0x23: {  	s9 =	sor.u32 $0xD0000000, s2;
	s6 =	simm.s32 $0x108;
	_ =	swait.ge @!p0 [sflag:s8], $0x0  }
0x24: {  	s3 =	sadd.s32 $0x88, s3;
	s6 =	simm.s32 @!p1 $0x1082;
	[sflag:s4] =	ssyncset.s32 $0xFFFFF086  }
0x25: {  	[simem:s6], [sflag:s4] =	dma.local [hbm:s3], $0xF7A  }
0x26: {  	[smem:$0x3F9D] =	sst s1;
	(tag) =	ssettag s2;
	_ =	strace s9  }
0x27: {  	s1 =	sld [smem:$0x3FAD]  }
0x28: {  	s2 =	sld [smem:$0x3FAE]  }
0x29: {  	s4 =	sld [smem:$0x3FB0]  }
0x2a: {  	p0 =	seq.s32 s5, $0x0;
	s5 =	sld [smem:$0x3FB1]  }
0x2b: {  	s6 =	sld [smem:$0x3FB2]  }
0x2c: {  	s7 =	sld [smem:$0x3FB3]  }
0x2d: {  	s3 =	simm.s32 $0x108;
	s8 =	sld [smem:$0x3FB4]  }
0x2e: {  	s3 =	simm.s32 @!p0 $0x1082;
	s9 =	sld [smem:$0x3FB5]  }
0x2f: {  	lr =	sadd.s32 s0, s3;
	s0 =	sld [smem:$0x3FAC]  }
0x30: {  	s3 =	sld [smem:$0x3FAF]  }
0x31: {  	[smem:$0x3FB8] =	sst s10  }
0x32: {  	s10 =	sld [smem:$0x3FB6];
	_ =	sdelay $0x3  }
0x33: {  	p0 =	seq.s32 s10, $0x1;
	s10 =	sld [smem:$0x3FB8];
	_ =	sdelay $0x3  }
0x34: {  	[smem:$0x3FB8] =	sst s10  }
0x35: {  	s10 =	sld [smem:$0x3FB7];
	_ =	sdelay $0x3  }
0x36: {  	p1 =	seq.s32 s10, $0x1;
	s10 =	sld [smem:$0x3FB8];
	_ =	sdelay $0x3  }
0x37: {  	[smem:$0x3FB8] =	sst s10  }
0x38: {  	s10 =	sld [smem:$0x3FB9]  }
0x39: {  	_ = 	snop;
	(pc) =	sbr.ind lr, $3  }
0x3a: {  	_ = 	snop  }
0x3b: {  	_ = 	snop  }
0x3c: {  	p2 =	seq.s32 s10, $0x1;
	s10 =	sld [smem:$0x3FB8]  }
0x3d: {  	_ =	shalt  }
0x3e: {  	_ =	shalt  }
0x3f: {  	_ =	shalt  }
0x40: {  	_ =	shalt  }
0x41: {  	_ =	shalt  }
0x42: {  	_ =	shalt  }
0x43: {  	_ =	shalt  }
0x44: {  	_ =	shalt  }
0x45: {  	_ =	shalt  }
0x46: {  	_ =	shalt  }
0x47: {  	_ =	shalt  }
0x48: {  	_ =	shalt  }
0x49: {  	_ =	shalt  }
0x4a: {  	_ =	shalt  }
0x4b: {  	_ =	shalt  }
0x4c: {  	_ =	shalt  }
0x4d: {  	_ =	shalt  }
0x4e: {  	_ =	shalt  }
0x4f: {  	_ =	shalt  }
0x50: {  	_ =	shalt  }
0x51: {  	_ =	shalt  }
0x52: {  	_ =	shalt  }
0x53: {  	_ =	shalt  }
0x54: {  	_ =	shalt  }
0x55: {  	_ =	shalt  }
0x56: {  	_ =	shalt  }
0x57: {  	_ =	shalt  }
0x58: {  	_ =	shalt  }
0x59: {  	_ =	shalt  }
0x5a: {  	_ =	shalt  }
0x5b: {  	_ =	shalt  }
0x5c: {  	_ =	shalt  }
0x5d: {  	_ =	shalt  }
0x5e: {  	_ =	shalt  }
0x5f: {  	_ =	shalt  }
0x60: {  	_ =	shalt  }
0x61: {  	_ =	shalt  }
0x62: {  	_ =	shalt  }
0x63: {  	_ =	shalt  }
0x64: {  	_ =	shalt  }
0x65: {  	_ =	shalt  }
0x66: {  	_ =	shalt  }
0x67: {  	_ =	shalt  }
0x68: {  	_ =	shalt  }
0x69: {  	_ =	shalt  }
0x6a: {  	_ =	shalt  }
0x6b: {  	_ =	shalt  }
0x6c: {  	_ =	shalt  }
0x6d: {  	_ =	shalt  }
0x6e: {  	_ =	shalt  }
0x6f: {  	_ =	shalt  }
0x70: {  	_ =	shalt  }
0x71: {  	_ =	shalt  }
0x72: {  	_ =	shalt  }
0x73: {  	_ =	shalt  }
0x74: {  	_ =	shalt  }
0x75: {  	_ =	shalt  }
0x76: {  	_ =	shalt  }
0x77: {  	_ =	shalt  }
0x78: {  	_ =	shalt  }
0x79: {  	_ =	shalt  }
0x7a: {  	_ =	shalt  }
0x7b: {  	_ =	shalt  }
0x7c: {  	_ =	shalt  }
0x7d: {  	_ =	shalt  }
0x7e: {  	_ =	shalt  }
0x7f: {  	_ =	shalt  }
0x80: {  	_ =	shalt  }
0x81: {  	_ =	shalt  }
0x82: {  	_ =	shalt  }
0x83: {  	_ =	shalt  }
0x84: {  	_ =	shalt  }
0x85: {  	_ =	shalt  }
0x86: {  	_ =	shalt  }
0x87: {  	_ =	shalt  }
.Lfunc_end0:
.L_simem_size_0:
called_computation.1_lowered:
.L_overlay_start_0:
0x88: {  	s2 =	sld [smem:$0x3FD9]  }
0x89: {  	s3 =	sld [smem:$0x3FFE];
	_ =	sdelay $0x1  }
0x8a: {  	s1 =	srdreg.scid  }
0x8b: {  	s0 =	sand.u32 $0x1, s1  }
0x8c: {  	s16 =	sshll.u32 s0, $0xA;
	s2 =	sadd.s32 s3, s2  }
0x8d: {  	s2 =	sadd.s32 s2, s16  }
0x8e: {  	[smem:$0x3FC4] =	sst s2  }
0x8f: {  	_ = 	snop  }
0x90: {  	(tm) =	ssettm $0x1  }
0x91: {  	s17 =	sld [smem:$0x3FFB];
	_ =	sdelay $0x3  }
0x92: {  	_ =	strace s17  }
0x93: {  	s2 =	sld [smem:$0x3FFC];
	_ =	sdelay $0x3  }
0x94: {  	_ =	strace s2  }
0x95: {  	s2 =	sld [smem:$0x3FFD];
	_ =	sdelay $0x3  }
0x96: {  	_ =	strace s2  }
0x97: {  	_ =	strace $0x8FFFFFFF  }
0x98: {  	s18 =	sld [smem:$0x3FDB];
	_ =	sdelay $0x1  }
0x99: {  	s19 =	simm.s32 $_scs_section_size  }
0x9a: {  	s4 =	simm.s32 $_size__tile_overlayer_lowered;
	s5 =	simm.s32 $_tile_overlayer_lowered  }
0x9b: {  	s22 =	simm.s32 $0x1BFF;
	s21 =	sshll.u32 s5, $0x1;
	s2 =	sadd.s32 s19, s18  }
0x9c: {  	s6 =	simm.s32 $0x0;
	s20 =	sshll.u32 s4, $0x1;
	s4 =	sadd.s32 s21, s2  }
0x9d: {  	[timem:s6], [sflag:s22] =	dma.local [hbm:s4], s20  }
0x9e: {  	_ =	swait.ge [sflag:s22], s20  }
0x9f: {  	s3 =	ssub.s32 $0x0, s20;
	[sflag:s22] =	ssyncset.done $0x0  }
0xa0: {  	[sflag:s22] =	ssyncadd.s32 s3;
	_ =	sdelay $0x1  }
0xa1: {  	s23 =	simm.s32 $0x1B8B  }
0xa2: {  	_ =	swait.ge [sflag:s23], $0x1  }
0xa3: {  	[sflag:s23] =	ssyncset.done $0x0  }
0xa4: {  	s25 =	simm.s32 $0x1B8E;
	s24 =	sld [smem:$0x3FFE];
	[sflag:s23] =	ssyncadd.s32 $0xFFFFFFFF  }
0xa5: {  	s26 =	simm.s32 $execute0_lowered;
	[smem:$0x3FD2] =	sst s25  }
0xa6: {  	s4 =	sshll.u32 s26, $0x1;
	_ =	strace $0x80000049;
	[dreg:$0x1] =	wrdreg $0xFFFFFFFF  }
0xa7: {  	s28 =	simm.s32 $_size_execute0_lowered;
	s2 =	sadd.s32 s2, s4;
	[dreg:$0x0] =	wrdreg $0x0  }
0xa8: {  	s4 =	sshll.u32 s28, $0x1;
	[dreg:$0x2] =	wrdreg s2  }
0xa9: {  	[dreg:$0x3] =	wrdreg s4  }
0xaa: {  	[dreg:$0x4] =	wrdreg $0xC0  }
0xab: {  	_ =	task [dreg:s6], $0x5FFFF  }
0xac: {  	[dreg:$0x1] =	wrdreg $0xFFFFFFFF  }
0xad: {  	[dreg:$0x0] =	wrdreg $0x60  }
0xae: {  	[dreg:$0x2] =	wrdreg s24  }
0xaf: {  	[dreg:$0x3] =	wrdreg $0x9  }
0xb0: {  	_ =	task.clear_ibuf [dreg:s6], $0x4FFFF;
	_ =	strace $0x90000049  }
0xb1: {  	s29 =	simm.s32 $0x9;
	_ =	strace $0x8000004B  }
0xb2: {  	_ =	swait.ge [sflag:s29], $0x1  }
0xb3: {  	[sflag:s29] =	ssyncadd.s32 $0xFFFFFFFF  }
0xb4: {  	_ =	strace $0x9000004B  }
0xb5: {  	_ =	sfence  }
0xb6: {  	s30 =	sld [smem:$0x0];
	_ =	sdelay $0x2  }
0xb7: {  	s31 =	sshll.u32 s1, $0xD;
	s1 =	sshrl.u32 s1, $0x2  }
0xb8: {  	s3 =	sand.u32 $0x4000, s31;
	s1 =	sadd.s32 s1, s30  }
0xb9: {  	s0 =	sor.u32 s3, s0;
	s1 =	sshll.u32 s1, $0x11  }
0xba: {  	s0 =	sor.u32 s1, s0  }
0xbb: {  	s0 =	sadd.s32 $0x8F2B, s0  }
0xbc: {  	[sflag:s0] =	ssyncadd.remote.s32 $0x1  }
0xbd: {  	_ =	sfence.sel $0xFFFF  }
0xbe: {  	[dreg:$0x0] =	wrdreg $0xFFFFFFFF;
	(pc) =	sbr.abs _section_cstart, $3  }
0xbf: {  	[dreg:$0x1] =	wrdreg $0xFFFFFFFF  }
0xc0: {  	_ =	task.clear_ibuf [dreg:s6], $0x2FFFF;
	_ =	strace $0x9FFFFFFF  }
0xc1: {  	(tm) =	ssettm $0x7FFFFFFF  }
tec
execute0_lowered:
.L_overlay_start_1:
0x0: {  	(tag) =	ssettag $0x1  }
0x1: {  	s1 =	srdreg.scid  }
0x2: {  	s0 =	stileid.u32;
	s1 =	sand.u32 $0x1, s1  }
0x3: {  	s2 =	sshll.u32 s0, $0x5;
	s3 =	sshll.u32 s1, $0x4  }
0x4: {  	s5 =	rddreg [dreg:$0x0];
	s3 =	sor.u32 s3, s2;
	s2 =	simm.s32 $0x0  }
0x5: {  	s26 =	simm.s32 $0x880;
	[smem:$0x7FF] =	sst s2  }
0x6: {  	s0 =	simm.s32 $0x1080;
	_ =	strace $0x8000004A;
	[dreg:$0x4] =	wrdreg s26  }
0x7: {  	s6 =	simm.s32 $0x2080;
	[dreg:$0x5] =	wrdreg s0  }
0x8: {  	s7 =	simm.s32 $0x2880;
	[dreg:$0x7] =	wrdreg s6  }
0x9: {  	s8 =	simm.s32 $0x3080;
	[dreg:$0x8] =	wrdreg s7  }
0xa: {  	s9 =	simm.s32 $0x3880;
	[dreg:$0x9] =	wrdreg s8  }
0xb: {  	s10 =	simm.s32 $0x4080;
	[dreg:$0xa] =	wrdreg s9  }
0xc: {  	s11 =	simm.s32 $0x4880;
	[dreg:$0xb] =	wrdreg s10  }
0xd: {  	s12 =	simm.s32 $0x5080;
	[dreg:$0xc] =	wrdreg s11  }
0xe: {  	s13 =	simm.s32 $0x5880;
	[dreg:$0xd] =	wrdreg s12  }
0xf: {  	s14 =	simm.s32 $0x6080;
	[dreg:$0xe] =	wrdreg s13  }
0x10: {  	s15 =	simm.s32 $0x6880;
	[dreg:$0xf] =	wrdreg s14  }
0x11: {  	s16 =	simm.s32 $0x7080;
	[dreg:$0x10] =	wrdreg s15  }
0x12: {  	s17 =	simm.s32 $0x7880;
	s18 =	simm.s32 $0x8080;
	[dreg:$0x11] =	wrdreg s16  }
0x13: {  	s19 =	simm.s32 $0x8880;
	s20 =	simm.s32 $0x9080;
	[dreg:$0x12] =	wrdreg s17  }
0x14: {  	s21 =	simm.s32 $0x9880;
	s22 =	simm.s32 $0xA080;
	[dreg:$0x13] =	wrdreg s18  }
0x15: {  	s23 =	simm.s32 $0xA880;
	s24 =	simm.s32 $0xB880;
	[dreg:$0x14] =	wrdreg s19  }
0x16: {  	s28 =	simm.s32 $0x16080;
	s29 =	simm.s32 $0x16880;
	[dreg:$0x15] =	wrdreg s20  }
0x17: {  	s30 =	simm.s32 $0x17080;
	s31 =	simm.s32 $0x17880;
	[dreg:$0x16] =	wrdreg s21  }
0x18: {  	s4 =	smul.u32 $0x300, s3;
	s3 =	sadd.s32 s3, s5;
	[dreg:$0x17] =	wrdreg s22  }
0x19: {  	s1 =	ssub.s32 $0x2, s1;
	s3 =	sadd.s32 $0x2200, s3;
	[dreg:$0x18] =	wrdreg s23  }
0x1a: {  	s6 =	sshrl.u32 s1, $0x1;
	s7 =	simm.s32 $0xB080;
	[dreg:$0x1a] =	wrdreg s24  }
0x1b: {  	s8 =	simm.s32 $0x80;
	s26 =	simm.s32 $0xC880;
	s10 =	simm.s32 $0xD880  }
0x1c: {  	s11 =	simm.s32 $0xE080;
	s12 =	simm.s32 $0xE880;
	s13 =	simm.s32 $0xF080  }
0x1d: {  	s14 =	simm.s32 $0xF880;
	s15 =	simm.s32 $0x10080;
	s16 =	simm.s32 $0x10880  }
0x1e: {  	s17 =	simm.s32 $0x11080;
	s18 =	simm.s32 $0x11880;
	s19 =	simm.s32 $0x12080  }
0x1f: {  	s20 =	simm.s32 $0x12880;
	s21 =	simm.s32 $0x13080;
	s22 =	simm.s32 $0x13880  }
0x20: {  	s23 =	simm.s32 $0x14080;
	s24 =	simm.s32 $0x14880;
	[dreg:$0x2] =	wrdreg s3  }
0x21: {  	s4 =	sadd.s32 s4, s5;
	s3 =	sadd.s32 $0xA2400, s5;
	[dreg:$0x19] =	wrdreg s7  }
0x22: {  	s1 =	ssub.s32 s1, s6;
	s7 =	simm.s32 $0x2;
	[dreg:$0x1c] =	wrdreg s26  }
0x23: {  	s26 =	simm.s32 $0x15880;
	s25 =	sadd.s32 $0x2400, s4;
	s4 =	simm.s32 $0x1880  }
0x24: {  	v2 =	vlaneseq.u32;
	s6 =	smax.u32 s1, $0x1;
	s1 =	simm.s32 $0x1;
	[dreg:$0x3] =	wrdreg s25  }
0x25: {  	vm0 =	vmmov $0xffff;
	v1 =	vshrl.u32 v2, $0x3;
	[dreg:$0x6] =	wrdreg s4;
	s4 =	sadd.s32 $0xA2500, s5;
	s25 =	simm.s32 $0xC080  }
0x26: {  	v0 =	vand.u32 $0x7, v2;
	v2 =	vor.u32 $0x8, v2;
	v1 =	vmul.u32 $0x8, v1;
	s5 =	sadd.s32 $0xA2600, s5;
	[dreg:$0x1b] =	wrdreg s25;
	s25 =	simm.s32 $0x15080  }
.LBB2_1:
0x27: {  	s0 =	rddreg [dreg:$0x2]  }
0x28: {  	[tilespmem:s2], [sflag:$0x2] =	stream.linear.gather [hbm4b:s0+s2], $0x80, $0x38;
	[tilespmem:$0x18080] =	vst v63  }
0x29: {  	_ =	swait.ge [sflag:s7], $0x80  }
0x2a: {  	[sflag:s7] =	ssyncset.done $0x0  }
0x2b: {  	[sflag:s7] =	ssyncadd.s32 $0xFFFFFF80  }
0x2c: {  	v3 =	vld [tilespmem:$0x0];
	_ =	sdelay $0x4  }
0x2d: {  	v4 =	vshrl.u32 v3, $0x3  }
0x2e: {  	v4 =	vmul.u32 $0x30, v4  }
0x2f: {  	v3 =	vand.u32 $0x7, v3  }
0x30: {  	v3 =	vor.u32 v3, v4  }
0x31: {  	v4 =	vperm.xlane v3, v0;
	_ =	sdelay $0x1  }
0x32: {  	v4 =	vadd.s32 v1, v4;
	_ =	sdelay $0x3  }
0x33: {  	v3 =	vperm.xlane v3, v2  }
0x34: {  	[tilespmem:s8], [sflag:$0x1] =	stream.indirect_vreg.gather [hbm4b:s3+s2], $0x80, v4, vm0, $0xb8;
	[tilespmem:$0x18080] =	vst v63  }
0x35: {  	s0 =	rddreg [dreg:$0x4];
	v3 =	vadd.s32 v1, v3  }
0x36: {  	[tilespmem:s0], [sflag:$0x1] =	stream.indirect_vreg.gather [hbm4b:s4+s2], $0x80, v4, vm0, $0xb8;
	[tilespmem:$0x18080] =	vst v63  }
0x37: {  	s9 =	rddreg [dreg:$0x5]  }
0x38: {  	[tilespmem:s9], [sflag:$0x1] =	stream.indirect_vreg.gather [hbm4b:s5+s2], $0x80, v4, vm0, $0xb8;
	[tilespmem:$0x18080] =	vst v63  }
0x39: {  	s0 =	rddreg [dreg:$0x6]  }
0x3a: {  	[tilespmem:s0], [sflag:$0x1] =	stream.indirect_vreg.gather [hbm4b:s3+s2], $0x80, v3, vm0, $0xb8;
	[tilespmem:$0x18080] =	vst v63  }
0x3b: {  	s9 =	rddreg [dreg:$0x7]  }
0x3c: {  	[tilespmem:s9], [sflag:$0x1] =	stream.indirect_vreg.gather [hbm4b:s4+s2], $0x80, v3, vm0, $0xb8;
	[tilespmem:$0x18080] =	vst v63  }
0x3d: {  	s0 =	rddreg [dreg:$0x8]  }
0x3e: {  	[tilespmem:s0], [sflag:$0x1] =	stream.indirect_vreg.gather [hbm4b:s5+s2], $0x80, v3, vm0, $0xb8;
	[tilespmem:$0x18080] =	vst v63  }
0x3f: {  	v3 =	vld [tilespmem:$0x10];
	_ =	sdelay $0x4  }
0x40: {  	v57 =	vshrl.u32 v3, $0x3  }
0x41: {  	v4 =	vmul.u32 $0x30, v57  }
0x42: {  	v3 =	vand.u32 $0x7, v3  }
0x43: {  	v3 =	vor.u32 v3, v4  }
0x44: {  	v4 =	vperm.xlane v3, v0;
	_ =	sdelay $0x1  }
0x45: {  	v4 =	vadd.s32 v1, v4;
	_ =	sdelay $0x3  }
0x46: {  	s0 =	rddreg [dreg:$0x9];
	v3 =	vperm.xlane v3, v2  }
0x47: {  	[tilespmem:s0], [sflag:$0x1] =	stream.indirect_vreg.gather [hbm4b:s3+s2], $0x80, v4, vm0, $0xb8;
	[tilespmem:$0x18080] =	vst v63  }
0x48: {  	s9 =	rddreg [dreg:$0xa];
	v3 =	vadd.s32 v1, v3  }
0x49: {  	[tilespmem:s9], [sflag:$0x1] =	stream.indirect_vreg.gather [hbm4b:s4+s2], $0x80, v4, vm0, $0xb8;
	[tilespmem:$0x18080] =	vst v63  }
0x4a: {  	s0 =	rddreg [dreg:$0xb]  }
0x4b: {  	[tilespmem:s0], [sflag:$0x1] =	stream.indirect_vreg.gather [hbm4b:s5+s2], $0x80, v4, vm0, $0xb8;
	[tilespmem:$0x18080] =	vst v63  }
0x4c: {  	s9 =	rddreg [dreg:$0xc]  }
0x4d: {  	[tilespmem:s9], [sflag:$0x1] =	stream.indirect_vreg.gather [hbm4b:s3+s2], $0x80, v3, vm0, $0xb8;
	[tilespmem:$0x18080] =	vst v63  }
0x4e: {  	s0 =	rddreg [dreg:$0xd]  }
0x4f: {  	[tilespmem:s0], [sflag:$0x1] =	stream.indirect_vreg.gather [hbm4b:s4+s2], $0x80, v3, vm0, $0xb8;
	[tilespmem:$0x18080] =	vst v63  }
0x50: {  	s9 =	rddreg [dreg:$0xe]  }
0x51: {  	[tilespmem:s9], [sflag:$0x1] =	stream.indirect_vreg.gather [hbm4b:s5+s2], $0x80, v3, vm0, $0xb8;
	[tilespmem:$0x18080] =	vst v63  }
0x52: {  	v3 =	vld [tilespmem:$0x20];
	_ =	sdelay $0x4  }
0x53: {  	v58 =	vshrl.u32 v3, $0x3  }
0x54: {  	v4 =	vmul.u32 $0x30, v58  }
0x55: {  	v3 =	vand.u32 $0x7, v3  }
0x56: {  	v3 =	vor.u32 v3, v4  }
0x57: {  	v4 =	vperm.xlane v3, v0;
	_ =	sdelay $0x1  }
0x58: {  	v4 =	vadd.s32 v1, v4;
	_ =	sdelay $0x3  }
0x59: {  	s0 =	rddreg [dreg:$0xf];
	v3 =	vperm.xlane v3, v2  }
0x5a: {  	[tilespmem:s0], [sflag:$0x1] =	stream.indirect_vreg.gather [hbm4b:s3+s2], $0x80, v4, vm0, $0xb8;
	[tilespmem:$0x18080] =	vst v63  }
0x5b: {  	s9 =	rddreg [dreg:$0x10];
	v3 =	vadd.s32 v1, v3  }
0x5c: {  	[tilespmem:s9], [sflag:$0x1] =	stream.indirect_vreg.gather [hbm4b:s4+s2], $0x80, v4, vm0, $0xb8;
	[tilespmem:$0x18080] =	vst v63  }
0x5d: {  	s0 =	rddreg [dreg:$0x11]  }
0x5e: {  	[tilespmem:s0], [sflag:$0x1] =	stream.indirect_vreg.gather [hbm4b:s5+s2], $0x80, v4, vm0, $0xb8;
	[tilespmem:$0x18080] =	vst v63  }
0x5f: {  	s9 =	rddreg [dreg:$0x12]  }
0x60: {  	[tilespmem:s9], [sflag:$0x1] =	stream.indirect_vreg.gather [hbm4b:s3+s2], $0x80, v3, vm0, $0xb8;
	[tilespmem:$0x18080] =	vst v63  }
0x61: {  	s0 =	rddreg [dreg:$0x13]  }
0x62: {  	[tilespmem:s0], [sflag:$0x1] =	stream.indirect_vreg.gather [hbm4b:s4+s2], $0x80, v3, vm0, $0xb8;
	[tilespmem:$0x18080] =	vst v63  }
0x63: {  	s9 =	rddreg [dreg:$0x14]  }
0x64: {  	[tilespmem:s9], [sflag:$0x1] =	stream.indirect_vreg.gather [hbm4b:s5+s2], $0x80, v3, vm0, $0xb8;
	[tilespmem:$0x18080] =	vst v63  }
0x65: {  	v3 =	vld [tilespmem:$0x30];
	_ =	sdelay $0x4  }
0x66: {  	v59 =	vshrl.u32 v3, $0x3  }
0x67: {  	v4 =	vmul.u32 $0x30, v59  }
0x68: {  	v3 =	vand.u32 $0x7, v3  }
0x69: {  	v3 =	vor.u32 v3, v4  }
0x6a: {  	v4 =	vperm.xlane v3, v0;
	_ =	sdelay $0x1  }
0x6b: {  	v4 =	vadd.s32 v1, v4;
	_ =	sdelay $0x3  }
0x6c: {  	s0 =	rddreg [dreg:$0x15];
	v3 =	vperm.xlane v3, v2  }
0x6d: {  	[tilespmem:s0], [sflag:$0x1] =	stream.indirect_vreg.gather [hbm4b:s3+s2], $0x80, v4, vm0, $0xb8;
	[tilespmem:$0x18080] =	vst v63  }
0x6e: {  	s9 =	rddreg [dreg:$0x16];
	v3 =	vadd.s32 v1, v3  }
0x6f: {  	[tilespmem:s9], [sflag:$0x1] =	stream.indirect_vreg.gather [hbm4b:s4+s2], $0x80, v4, vm0, $0xb8;
	[tilespmem:$0x18080] =	vst v63  }
0x70: {  	s0 =	rddreg [dreg:$0x17]  }
0x71: {  	[tilespmem:s0], [sflag:$0x1] =	stream.indirect_vreg.gather [hbm4b:s5+s2], $0x80, v4, vm0, $0xb8;
	[tilespmem:$0x18080] =	vst v63  }
0x72: {  	s9 =	rddreg [dreg:$0x18]  }
0x73: {  	[tilespmem:s9], [sflag:$0x1] =	stream.indirect_vreg.gather [hbm4b:s3+s2], $0x80, v3, vm0, $0xb8;
	[tilespmem:$0x18080] =	vst v63  }
0x74: {  	s0 =	rddreg [dreg:$0x19]  }
0x75: {  	[tilespmem:s0], [sflag:$0x1] =	stream.indirect_vreg.gather [hbm4b:s4+s2], $0x80, v3, vm0, $0xb8;
	[tilespmem:$0x18080] =	vst v63  }
0x76: {  	s9 =	rddreg [dreg:$0x1a]  }
0x77: {  	[tilespmem:s9], [sflag:$0x1] =	stream.indirect_vreg.gather [hbm4b:s5+s2], $0x80, v3, vm0, $0xb8;
	[tilespmem:$0x18080] =	vst v63  }
0x78: {  	v3 =	vld [tilespmem:$0x40];
	_ =	sdelay $0x4  }
0x79: {  	v60 =	vshrl.u32 v3, $0x3  }
0x7a: {  	v4 =	vmul.u32 $0x30, v60  }
0x7b: {  	v3 =	vand.u32 $0x7, v3  }
0x7c: {  	v3 =	vor.u32 v3, v4  }
0x7d: {  	v4 =	vperm.xlane v3, v0;
	_ =	sdelay $0x1  }
0x7e: {  	v4 =	vadd.s32 v1, v4;
	_ =	sdelay $0x3  }
0x7f: {  	s0 =	rddreg [dreg:$0x1b];
	v3 =	vperm.xlane v3, v2  }
0x80: {  	[tilespmem:s0], [sflag:$0x1] =	stream.indirect_vreg.gather [hbm4b:s3+s2], $0x80, v4, vm0, $0xb8;
	[tilespmem:$0x18080] =	vst v63  }
0x81: {  	s9 =	rddreg [dreg:$0x1c];
	v3 =	vadd.s32 v1, v3  }
0x82: {  	[tilespmem:s9], [sflag:$0x1] =	stream.indirect_vreg.gather [hbm4b:s4+s2], $0x80, v4, vm0, $0xb8;
	[tilespmem:$0x18080] =	vst v63  }
0x83: {  	s9 =	simm.s32 $0xD080  }
0x84: {  	[tilespmem:s9], [sflag:$0x1] =	stream.indirect_vreg.gather [hbm4b:s5+s2], $0x80, v4, vm0, $0xb8;
	[tilespmem:$0x18080] =	vst v63  }
0x85: {  	_ = 	snop  }
0x86: {  	[tilespmem:s10], [sflag:$0x1] =	stream.indirect_vreg.gather [hbm4b:s3+s2], $0x80, v3, vm0, $0xb8;
	[tilespmem:$0x18080] =	vst v63  }
0x87: {  	_ = 	snop  }
0x88: {  	[tilespmem:s11], [sflag:$0x1] =	stream.indirect_vreg.gather [hbm4b:s4+s2], $0x80, v3, vm0, $0xb8;
	[tilespmem:$0x18080] =	vst v63  }
0x89: {  	_ = 	snop  }
0x8a: {  	[tilespmem:s12], [sflag:$0x1] =	stream.indirect_vreg.gather [hbm4b:s5+s2], $0x80, v3, vm0, $0xb8;
	[tilespmem:$0x18080] =	vst v63  }
0x8b: {  	v3 =	vld [tilespmem:$0x50];
	_ =	sdelay $0x4  }
0x8c: {  	v61 =	vshrl.u32 v3, $0x3  }
0x8d: {  	v4 =	vmul.u32 $0x30, v61  }
0x8e: {  	v3 =	vand.u32 $0x7, v3  }
0x8f: {  	v3 =	vor.u32 v3, v4  }
0x90: {  	v4 =	vperm.xlane v3, v0;
	_ =	sdelay $0x1  }
0x91: {  	v4 =	vadd.s32 v1, v4;
	_ =	sdelay $0x3  }
0x92: {  	v3 =	vperm.xlane v3, v2  }
0x93: {  	[tilespmem:s13], [sflag:$0x1] =	stream.indirect_vreg.gather [hbm4b:s3+s2], $0x80, v4, vm0, $0xb8;
	[tilespmem:$0x18080] =	vst v63  }
0x94: {  	v3 =	vadd.s32 v1, v3  }
0x95: {  	[tilespmem:s14], [sflag:$0x1] =	stream.indirect_vreg.gather [hbm4b:s4+s2], $0x80, v4, vm0, $0xb8;
	[tilespmem:$0x18080] =	vst v63  }
0x96: {  	_ = 	snop  }
0x97: {  	[tilespmem:s15], [sflag:$0x1] =	stream.indirect_vreg.gather [hbm4b:s5+s2], $0x80, v4, vm0, $0xb8;
	[tilespmem:$0x18080] =	vst v63  }
0x98: {  	_ = 	snop  }
0x99: {  	[tilespmem:s16], [sflag:$0x1] =	stream.indirect_vreg.gather [hbm4b:s3+s2], $0x80, v3, vm0, $0xb8;
	[tilespmem:$0x18080] =	vst v63  }
0x9a: {  	_ = 	snop  }
0x9b: {  	[tilespmem:s17], [sflag:$0x1] =	stream.indirect_vreg.gather [hbm4b:s4+s2], $0x80, v3, vm0, $0xb8;
	[tilespmem:$0x18080] =	vst v63  }
0x9c: {  	_ = 	snop  }
0x9d: {  	[tilespmem:s18], [sflag:$0x1] =	stream.indirect_vreg.gather [hbm4b:s5+s2], $0x80, v3, vm0, $0xb8;
	[tilespmem:$0x18080] =	vst v63  }
0x9e: {  	v3 =	vld [tilespmem:$0x60];
	_ =	sdelay $0x4  }
0x9f: {  	v62 =	vshrl.u32 v3, $0x3  }
0xa0: {  	v4 =	vmul.u32 $0x30, v62  }
0xa1: {  	v3 =	vand.u32 $0x7, v3  }
0xa2: {  	v3 =	vor.u32 v3, v4  }
0xa3: {  	v4 =	vperm.xlane v3, v0;
	_ =	sdelay $0x1  }
0xa4: {  	v4 =	vadd.s32 v1, v4;
	_ =	sdelay $0x3  }
0xa5: {  	v3 =	vperm.xlane v3, v2  }
0xa6: {  	[tilespmem:s19], [sflag:$0x1] =	stream.indirect_vreg.gather [hbm4b:s3+s2], $0x80, v4, vm0, $0xb8;
	[tilespmem:$0x18080] =	vst v63  }
0xa7: {  	v3 =	vadd.s32 v1, v3  }
0xa8: {  	[tilespmem:s20], [sflag:$0x1] =	stream.indirect_vreg.gather [hbm4b:s4+s2], $0x80, v4, vm0, $0xb8;
	[tilespmem:$0x18080] =	vst v63  }
0xa9: {  	_ = 	snop  }
0xaa: {  	[tilespmem:s21], [sflag:$0x1] =	stream.indirect_vreg.gather [hbm4b:s5+s2], $0x80, v4, vm0, $0xb8;
	[tilespmem:$0x18080] =	vst v63  }
0xab: {  	_ = 	snop  }
0xac: {  	[tilespmem:s22], [sflag:$0x1] =	stream.indirect_vreg.gather [hbm4b:s3+s2], $0x80, v3, vm0, $0xb8;
	[tilespmem:$0x18080] =	vst v63  }
0xad: {  	_ = 	snop  }
0xae: {  	[tilespmem:s23], [sflag:$0x1] =	stream.indirect_vreg.gather [hbm4b:s4+s2], $0x80, v3, vm0, $0xb8;
	[tilespmem:$0x18080] =	vst v63  }
0xaf: {  	_ = 	snop  }
0xb0: {  	[tilespmem:s24], [sflag:$0x1] =	stream.indirect_vreg.gather [hbm4b:s5+s2], $0x80, v3, vm0, $0xb8;
	[tilespmem:$0x18080] =	vst v63  }
0xb1: {  	v3 =	vld [tilespmem:$0x70];
	_ =	sdelay $0x4  }
0xb2: {  	v63 =	vshrl.u32 v3, $0x3  }
0xb3: {  	v4 =	vmul.u32 $0x30, v63  }
0xb4: {  	v3 =	vand.u32 $0x7, v3  }
0xb5: {  	v3 =	vor.u32 v3, v4  }
0xb6: {  	v4 =	vperm.xlane v3, v0;
	_ =	sdelay $0x1  }
0xb7: {  	v4 =	vadd.s32 v1, v4;
	_ =	sdelay $0x3  }
0xb8: {  	v3 =	vperm.xlane v3, v2  }
0xb9: {  	[tilespmem:s25], [sflag:$0x1] =	stream.indirect_vreg.gather [hbm4b:s3+s2], $0x80, v4, vm0, $0xb8;
	[tilespmem:$0x18080] =	vst v63  }
0xba: {  	v3 =	vadd.s32 v1, v3  }
0xbb: {  	[tilespmem:s26], [sflag:$0x1] =	stream.indirect_vreg.gather [hbm4b:s4+s2], $0x80, v4, vm0, $0xb8;
	[tilespmem:$0x18080] =	vst v63  }
0xbc: {  	_ = 	snop  }
0xbd: {  	[tilespmem:s28], [sflag:$0x1] =	stream.indirect_vreg.gather [hbm4b:s5+s2], $0x80, v4, vm0, $0xb8;
	[tilespmem:$0x18080] =	vst v63  }
0xbe: {  	_ = 	snop  }
0xbf: {  	[tilespmem:s29], [sflag:$0x1] =	stream.indirect_vreg.gather [hbm4b:s3+s2], $0x80, v3, vm0, $0xb8;
	[tilespmem:$0x18080] =	vst v63  }
0xc0: {  	_ = 	snop  }
0xc1: {  	[tilespmem:s30], [sflag:$0x1] =	stream.indirect_vreg.gather [hbm4b:s4+s2], $0x80, v3, vm0, $0xb8;
	[tilespmem:$0x18080] =	vst v63  }
0xc2: {  	_ = 	snop  }
0xc3: {  	[tilespmem:s31], [sflag:$0x1] =	stream.indirect_vreg.gather [hbm4b:s5+s2], $0x80, v3, vm0, $0xb8;
	[tilespmem:$0x18080] =	vst v63  }
0xc4: {  	_ =	swait.ge [sflag:s1], $0x18000  }
0xc5: {  	p0 =	sne.s32 s6, $0x1;
	[sflag:s1] =	ssyncset.done $0x0  }
.Ltmp0:
0xc6: {  	s9 =	rddreg [dreg:$0x3];
	[sflag:s1] =	ssyncadd.s32 $0xFFFE8000;
	(pc) =	sbr.rel @p0 .LBB2_1-.Ltmp0, $4  }
0xc7: {  	[hbm4b:s9+s2] =	stream.linear.scatter [tilespmem:s8], [sflag:$0x2], $0x18000, $0x38;
	[tilespmem:$0x18080] =	vst v63  }
0xc8: {  	_ =	swait.ge [sflag:s7], $0x18000  }
0xc9: {  	[sflag:s7] =	ssyncset.done $0x0  }
0xca: {  	s6 =	sadd.s32 $0xFFFFFFFF, s6;
	[sflag:s7] =	ssyncadd.s32 $0xFFFE8000  }
0xcb: {  	_ =	sfence.sel $0x180000  }
0xcc: {  	[bflag:$0x0] =	sbarrier.arrive $0xFFFF  }
0xcd: {  	_ =	strace $0x9000004A  }
0xce: {  	s0 =	stileid.u32;
	[bflag:$0x2] =	sbarrier.arrive $0xFFFF  }
0xcf: {  	p0 =	sne.s32 s0, $0x0;
	s0 =	rddreg [dreg:$0x1]  }
0xd0: {  	s0 =	sadd.s32 @!p0 $0x100000, s0  }
0xd1: {  	[sflag:s0] =	ssyncadd.tile.s32 @!p0 $0x1;
	_ =	shalt  }
.Lfunc_end2:
_tile_overlayer_lowered:
.L_overlay_start_2:
0xd2: {  	(tag) =	ssettag $0x2  }
0xd3: {  	s0 =	rddreg [dreg:$0x0];
	s2 =	stileid.u32  }
0xd4: {  	s1 =	rddreg [dreg:$0x1];
	p0 =	sne.s32 s2, $0x0  }
0xd5: {  	s3 =	rddreg [dreg:$0x2];
	[bflag:$0x3] =	sbarrier.arrive $0xFFFF;
	s2 =	simm.s32 @!p0 $0x1C02  }
0xd6: {  	[timem:s3], [sflag:s2] =	dma.local @!p0 [hbm:s0], s1  }
0xd7: {  	s0 =	simm.s32 @!p0 $0x2  }
0xd8: {  	_ =	swait.ge @!p0 [sflag:s0], s1  }
0xd9: {  	s1 =	ssub.s32 @!p0 $0x0, s1;
	[sflag:s0] =	ssyncset.done @!p0 $0x0  }
0xda: {  	[sflag:s0] =	ssyncadd.s32 @!p0 s1  }
0xdb: {  	[bflag:$0x3] =	sbarrier.arrive $0xFFFF  }
0xdc: {  	_ =	shalt  }

// kernel: kernel.7.cloned.1.call-start
scs
__scs_entry_jumppad:
0x0: {  	(pc) =	sbr.rel $0x88, $3  }
0x1: {  	(tag) =	ssettag $0x0;
	lr =	simm.s32 $0x1  }
0x2: {  	[smem:$0x3F9D] =	sst lr;
	_ =	strace $0xD0000000  }
0x3: {  	_ = 	snop  }
0x4: {  	_ = 	snop  }
0x5: {  	_ = 	snop  }
0x6: {  	_ = 	snop  }
0x7: {  	_ = 	snop  }
__scs_overlays_trampoline_lowered:
0x8: {  	[smem:$0x3FAC] =	sst s0  }
0x9: {  	[smem:$0x3FAD] =	sst s1  }
0xa: {  	[smem:$0x3FAE] =	sst s2  }
0xb: {  	[smem:$0x3FAF] =	sst s3  }
0xc: {  	[smem:$0x3FB0] =	sst s4  }
0xd: {  	[smem:$0x3FB1] =	sst s5  }
0xe: {  	[smem:$0x3FB2] =	sst s6  }
0xf: {  	[smem:$0x3FB3] =	sst s7  }
0x10: {  	[smem:$0x3FB4] =	sst s8  }
0x11: {  	[smem:$0x3FB5] =	sst s9;
	s0 =	simm.s32 @!p0 $0x0  }
0x12: {  	s1 =	sld [smem:$0x3F9B];
	s0 =	simm.s32 @p0 $0x1  }
0x13: {  	[smem:$0x3FB6] =	sst s0;
	s0 =	simm.s32 @!p1 $0x0  }
0x14: {  	s2 =	sld [smem:$0x3F9A];
	s0 =	simm.s32 @p1 $0x1  }
0x15: {  	[smem:$0x3FB7] =	sst s0;
	s0 =	simm.s32 @!p2 $0x0  }
0x16: {  	s3 =	sld [smem:$0x3FDB];
	s0 =	simm.s32 @p2 $0x1  }
0x17: {  	s4 =	simm.s32 $0x1BF5;
	[smem:$0x3FB9] =	sst s0  }
0x18: {  	s0 =	sld [smem:$0x3F9C];
	_ =	swait.ge [sflag:s4], $0x0  }
0x19: {  	s7 =	sld [smem:$0x3F9D]  }
0x1a: {  	s8 =	sadd.s32 $0xFFFFE003, lr  }
0x1b: {  	s9 =	sadd.s32 $0xFFFFFEF7, lr;
	s5 =	simm.s32 $0xFFFFFFFF;
	p2 =	slt.u32 s8, $0xFFFFF086  }
0x1c: {  	p1 =	slt.u32 s9, $0xF7A;
	s5 =	simm.s32 @!p2 $0x0  }
0x1d: {  	s5 =	simm.s32 @p1 $0x1;
	p0 =	seq.s32 s7, s2  }
0x1e: {  	s7 =	smul.u32 @!p0 $0xF7A, s2;
	p2 =	seq.s32 @!p0 s5, $0x0  }
0x1f: {  	s9 =	smul.u32 $0xF7A, s1;
	s8 =	simm.s32 @!p0 $0x1BF5;
	p2 =	por !p2, p0  }
0x20: {  	[sflag:s8] =	ssyncset.s32 @!p0 $0xFFFFF086;
	s6 =	sadd.s32 @!p0 s3, s7;
	s7 =	simm.s32 @!p0 $0x108  }
0x21: {  	s3 =	sadd.s32 s3, s9;
	s6 =	sadd.s32 @!p0 $0x88, s6;
	s7 =	simm.s32 @p2 $0x1082  }
0x22: {  	[simem:s7], [sflag:s8] =	dma.local @!p0 [hbm:s6], $0xF7A  }
0x23: {  	s9 =	sor.u32 $0xD0000000, s2;
	s6 =	simm.s32 $0x108;
	_ =	swait.ge @!p0 [sflag:s8], $0x0  }
0x24: {  	s3 =	sadd.s32 $0x88, s3;
	s6 =	simm.s32 @!p1 $0x1082;
	[sflag:s4] =	ssyncset.s32 $0xFFFFF086  }
0x25: {  	[simem:s6], [sflag:s4] =	dma.local [hbm:s3], $0xF7A  }
0x26: {  	[smem:$0x3F9D] =	sst s1;
	(tag) =	ssettag s2;
	_ =	strace s9  }
0x27: {  	s1 =	sld [smem:$0x3FAD]  }
0x28: {  	s2 =	sld [smem:$0x3FAE]  }
0x29: {  	s4 =	sld [smem:$0x3FB0]  }
0x2a: {  	p0 =	seq.s32 s5, $0x0;
	s5 =	sld [smem:$0x3FB1]  }
0x2b: {  	s6 =	sld [smem:$0x3FB2]  }
0x2c: {  	s7 =	sld [smem:$0x3FB3]  }
0x2d: {  	s3 =	simm.s32 $0x108;
	s8 =	sld [smem:$0x3FB4]  }
0x2e: {  	s3 =	simm.s32 @!p0 $0x1082;
	s9 =	sld [smem:$0x3FB5]  }
0x2f: {  	lr =	sadd.s32 s0, s3;
	s0 =	sld [smem:$0x3FAC]  }
0x30: {  	s3 =	sld [smem:$0x3FAF]  }
0x31: {  	[smem:$0x3FB8] =	sst s10  }
0x32: {  	s10 =	sld [smem:$0x3FB6];
	_ =	sdelay $0x3  }
0x33: {  	p0 =	seq.s32 s10, $0x1;
	s10 =	sld [smem:$0x3FB8];
	_ =	sdelay $0x3  }
0x34: {  	[smem:$0x3FB8] =	sst s10  }
0x35: {  	s10 =	sld [smem:$0x3FB7];
	_ =	sdelay $0x3  }
0x36: {  	p1 =	seq.s32 s10, $0x1;
	s10 =	sld [smem:$0x3FB8];
	_ =	sdelay $0x3  }
0x37: {  	[smem:$0x3FB8] =	sst s10  }
0x38: {  	s10 =	sld [smem:$0x3FB9]  }
0x39: {  	_ = 	snop;
	(pc) =	sbr.ind lr, $3  }
0x3a: {  	_ = 	snop  }
0x3b: {  	_ = 	snop  }
0x3c: {  	p2 =	seq.s32 s10, $0x1;
	s10 =	sld [smem:$0x3FB8]  }
0x3d: {  	_ =	shalt  }
0x3e: {  	_ =	shalt  }
0x3f: {  	_ =	shalt  }
0x40: {  	_ =	shalt  }
0x41: {  	_ =	shalt  }
0x42: {  	_ =	shalt  }
0x43: {  	_ =	shalt  }
0x44: {  	_ =	shalt  }
0x45: {  	_ =	shalt  }
0x46: {  	_ =	shalt  }
0x47: {  	_ =	shalt  }
0x48: {  	_ =	shalt  }
0x49: {  	_ =	shalt  }
0x4a: {  	_ =	shalt  }
0x4b: {  	_ =	shalt  }
0x4c: {  	_ =	shalt  }
0x4d: {  	_ =	shalt  }
0x4e: {  	_ =	shalt  }
0x4f: {  	_ =	shalt  }
0x50: {  	_ =	shalt  }
0x51: {  	_ =	shalt  }
0x52: {  	_ =	shalt  }
0x53: {  	_ =	shalt  }
0x54: {  	_ =	shalt  }
0x55: {  	_ =	shalt  }
0x56: {  	_ =	shalt  }
0x57: {  	_ =	shalt  }
0x58: {  	_ =	shalt  }
0x59: {  	_ =	shalt  }
0x5a: {  	_ =	shalt  }
0x5b: {  	_ =	shalt  }
0x5c: {  	_ =	shalt  }
0x5d: {  	_ =	shalt  }
0x5e: {  	_ =	shalt  }
0x5f: {  	_ =	shalt  }
0x60: {  	_ =	shalt  }
0x61: {  	_ =	shalt  }
0x62: {  	_ =	shalt  }
0x63: {  	_ =	shalt  }
0x64: {  	_ =	shalt  }
0x65: {  	_ =	shalt  }
0x66: {  	_ =	shalt  }
0x67: {  	_ =	shalt  }
0x68: {  	_ =	shalt  }
0x69: {  	_ =	shalt  }
0x6a: {  	_ =	shalt  }
0x6b: {  	_ =	shalt  }
0x6c: {  	_ =	shalt  }
0x6d: {  	_ =	shalt  }
0x6e: {  	_ =	shalt  }
0x6f: {  	_ =	shalt  }
0x70: {  	_ =	shalt  }
0x71: {  	_ =	shalt  }
0x72: {  	_ =	shalt  }
0x73: {  	_ =	shalt  }
0x74: {  	_ =	shalt  }
0x75: {  	_ =	shalt  }
0x76: {  	_ =	shalt  }
0x77: {  	_ =	shalt  }
0x78: {  	_ =	shalt  }
0x79: {  	_ =	shalt  }
0x7a: {  	_ =	shalt  }
0x7b: {  	_ =	shalt  }
0x7c: {  	_ =	shalt  }
0x7d: {  	_ =	shalt  }
0x7e: {  	_ =	shalt  }
0x7f: {  	_ =	shalt  }
0x80: {  	_ =	shalt  }
0x81: {  	_ =	shalt  }
0x82: {  	_ =	shalt  }
0x83: {  	_ =	shalt  }
0x84: {  	_ =	shalt  }
0x85: {  	_ =	shalt  }
0x86: {  	_ =	shalt  }
0x87: {  	_ =	shalt  }
.Lfunc_end0:
.L_simem_size_0:
called_computation_lowered:
.L_overlay_start_0:
0x88: {  	s2 =	sld [smem:$0x3FD9]  }
0x89: {  	s3 =	sld [smem:$0x3FFE];
	_ =	sdelay $0x1  }
0x8a: {  	s1 =	srdreg.scid  }
0x8b: {  	s0 =	sand.u32 $0x1, s1  }
0x8c: {  	s17 =	sshll.u32 s0, $0xA;
	s2 =	sadd.s32 s3, s2  }
0x8d: {  	s2 =	sadd.s32 s2, s17  }
0x8e: {  	[smem:$0x3FC4] =	sst s2  }
0x8f: {  	_ = 	snop  }
0x90: {  	s2 =	sld [smem:$0x3FC9]  }
0x91: {  	s18 =	sld [smem:$0x3FD0];
	(tm) =	ssettm $0x1  }
0x92: {  	s4 =	sld [smem:$0x3FFB];
	_ =	sdelay $0x3  }
0x93: {  	_ =	strace s4  }
0x94: {  	s4 =	sld [smem:$0x3FFC];
	_ =	sdelay $0x3  }
0x95: {  	_ =	strace s4  }
0x96: {  	s4 =	sld [smem:$0x3FFD];
	_ =	sdelay $0x3  }
0x97: {  	_ =	strace s4  }
0x98: {  	_ =	strace $0x8FFFFFFF  }
0x99: {  	s19 =	sld [smem:$0x3FDB];
	_ =	sdelay $0x1  }
0x9a: {  	s5 =	simm.s32 $_scs_section_size  }
0x9b: {  	s6 =	simm.s32 $_size__tile_overlayer_lowered;
	s7 =	simm.s32 $_tile_overlayer_lowered  }
0x9c: {  	s22 =	simm.s32 $0x1BFF;
	s21 =	sshll.u32 s7, $0x1;
	s4 =	sadd.s32 s5, s19  }
0x9d: {  	s8 =	simm.s32 $0x0;
	s20 =	sshll.u32 s6, $0x1;
	s6 =	sadd.s32 s21, s4  }
0x9e: {  	[timem:s8], [sflag:s22] =	dma.local [hbm:s6], s20  }
0x9f: {  	_ =	swait.ge [sflag:s22], s20  }
0xa0: {  	s5 =	ssub.s32 $0x0, s20;
	[sflag:s22] =	ssyncset.done $0x0  }
0xa1: {  	[sflag:s22] =	ssyncadd.s32 s5;
	_ =	sdelay $0x1  }
0xa2: {  	s23 =	simm.s32 $0x1B8B  }
0xa3: {  	_ =	swait.ge [sflag:s23], $0x1  }
0xa4: {  	[sflag:s23] =	ssyncset.done $0x0  }
0xa5: {  	s25 =	simm.s32 $0x1B8E;
	s24 =	sld [smem:$0x3FFE];
	[sflag:s23] =	ssyncadd.s32 $0xFFFFFFFF  }
0xa6: {  	s26 =	simm.s32 $execute0_lowered;
	[smem:$0x3FD2] =	sst s25  }
0xa7: {  	s6 =	sshll.u32 s26, $0x1;
	_ =	strace $0x80000046;
	[dreg:$0x1] =	wrdreg $0xFFFFFFFF  }
0xa8: {  	s28 =	simm.s32 $_size_execute0_lowered;
	s4 =	sadd.s32 s4, s6;
	[dreg:$0x0] =	wrdreg $0x0  }
0xa9: {  	s6 =	sshll.u32 s28, $0x1;
	[dreg:$0x2] =	wrdreg s4  }
0xaa: {  	[dreg:$0x3] =	wrdreg s6  }
0xab: {  	[dreg:$0x4] =	wrdreg $0xC0  }
0xac: {  	_ =	task [dreg:s8], $0x5FFFF  }
0xad: {  	[dreg:$0x1] =	wrdreg $0xFFFFFFFF  }
0xae: {  	[dreg:$0x0] =	wrdreg $0x60  }
0xaf: {  	[dreg:$0x2] =	wrdreg s2  }
0xb0: {  	[dreg:$0x3] =	wrdreg s24  }
0xb1: {  	[dreg:$0x4] =	wrdreg s18  }
0xb2: {  	[dreg:$0x5] =	wrdreg $0x9  }
0xb3: {  	_ =	task.clear_ibuf [dreg:s8], $0x6FFFF;
	_ =	strace $0x90000046  }
0xb4: {  	s29 =	simm.s32 $0x9;
	_ =	strace $0x80000048  }
0xb5: {  	_ =	swait.ge [sflag:s29], $0x1  }
0xb6: {  	[sflag:s29] =	ssyncadd.s32 $0xFFFFFFFF  }
0xb7: {  	_ =	strace $0x90000048  }
0xb8: {  	_ =	sfence  }
0xb9: {  	s30 =	sld [smem:$0x0];
	_ =	sdelay $0x2  }
0xba: {  	s31 =	sshll.u32 s1, $0xD;
	s1 =	sshrl.u32 s1, $0x2  }
0xbb: {  	s3 =	sand.u32 $0x4000, s31;
	s1 =	sadd.s32 s1, s30  }
0xbc: {  	s0 =	sor.u32 s3, s0;
	s1 =	sshll.u32 s1, $0x11  }
0xbd: {  	s0 =	sor.u32 s1, s0  }
0xbe: {  	s0 =	sadd.s32 $0x8F2B, s0  }
0xbf: {  	[sflag:s0] =	ssyncadd.remote.s32 $0x1  }
0xc0: {  	_ =	sfence.sel $0xFFFF  }
0xc1: {  	[dreg:$0x0] =	wrdreg $0xFFFFFFFF;
	(pc) =	sbr.abs _section_cstart, $3  }
0xc2: {  	[dreg:$0x1] =	wrdreg $0xFFFFFFFF  }
0xc3: {  	_ =	task.clear_ibuf [dreg:s8], $0x2FFFF;
	_ =	strace $0x9FFFFFFF  }
0xc4: {  	(tm) =	ssettm $0x7FFFFFFF  }
0xc5: {  	_ =	shalt  }
tec
execute0_lowered:
.L_overlay_start_1:
0x0: {  	(tag) =	ssettag $0x1  }
0x1: {  	s1 =	rddreg [dreg:$0x0];
	s0 =	srdreg.scid  }
0x2: {  	s2 =	rddreg [dreg:$0x1];
	s4 =	stileid.u32  }
0x3: {  	s3 =	rddreg [dreg:$0x2];
	s10 =	simm.s32 $0x2;
	s17 =	simm.s32 $0x1  }
0x4: {  	s21 =	simm.s32 $0x900;
	s22 =	simm.s32 $0x1100;
	s23 =	simm.s32 $0x1900  }
0x5: {  	s24 =	simm.s32 $0x2100;
	s28 =	simm.s32 $0x3900;
	s29 =	simm.s32 $0x4100  }
0x6: {  	s30 =	simm.s32 $0x4900;
	s31 =	simm.s32 $0x5100;
	s11 =	simm.s32 $0x6900  }
0x7: {  	s12 =	simm.s32 $0x7100;
	s13 =	simm.s32 $0x7900;
	s14 =	simm.s32 $0x8100  }
0x8: {  	s15 =	simm.s32 $0x8900;
	s16 =	simm.s32 $0x9100;
	s19 =	simm.s32 $0x9900  }
0x9: {  	s20 =	simm.s32 $0xA100;
	s0 =	sand.u32 $0x1, s0;
	s4 =	sshll.u32 s4, $0x8  }
0xa: {  	[dreg:$0x4] =	wrdreg s3;
	s3 =	simm.s32 $0x0;
	s5 =	sshll.u32 s0, $0x7  }
0xb: {  	s7 =	sadd.s32 $0x12500, s2;
	s8 =	sadd.s32 $0x12600, s2;
	s4 =	sor.u32 s5, s4  }
0xc: {  	[smem:$0x7FF] =	sst s3;
	s0 =	ssub.s32 $0x2, s0;
	s5 =	sshrl.u32 s4, $0x3  }
0xd: {  	_ =	strace $0x80000047;
	s25 =	sshrl.u32 s0, $0x1;
	s5 =	sadd.s32 s5, s2  }
0xe: {  	s4 =	sshll.u32 s4, $0x4;
	s0 =	ssub.s32 s0, s25;
	s6 =	sadd.s32 $0x2000, s5  }
0xf: {  	s4 =	sadd.s32 s4, s2;
	s5 =	sadd.s32 $0x2200, s5;
	[dreg:$0x5] =	wrdreg s6  }
0x10: {  	v2 =	vlaneseq.u32;
	s25 =	simm.s32 $0x2900;
	s26 =	sadd.s32 $0x2400, s4;
	[dreg:$0x6] =	wrdreg s5  }
0x11: {  	vm0 =	vmmov $0xffff;
	v1 =	vshrl.u32 v2, $0x3;
	s9 =	smax.u32 s0, $0x1;
	s4 =	sadd.s32 $0x12400, s2;
	[dreg:$0x7] =	wrdreg s26  }
0x12: {  	v0 =	vand.u32 $0x7, v2;
	v2 =	vor.u32 $0x8, v2;
	v1 =	vmul.u32 $0x8, v1;
	s5 =	sadd.s32 $0x100, s1;
	s6 =	sadd.s32 $0x200, s1;
	s26 =	simm.s32 $0x3100  }
.LBB2_1:
0x13: {  	s18 =	rddreg [dreg:$0x5]  }
0x14: {  	[tilespmem:s3], [sflag:$0x2] =	stream.linear.gather [hbm4b:s18+s3], $0x80, $0x38;
	[tilespmem:$0x1C100] =	vst v63  }
0x15: {  	_ =	swait.ge [sflag:s10], $0x80  }
0x16: {  	[sflag:s10] =	ssyncset.done $0x0  }
0x17: {  	s0 =	simm.s32 $0x80;
	s2 =	rddreg [dreg:$0x6];
	[sflag:s10] =	ssyncadd.s32 $0xFFFFFF80  }
0x18: {  	[tilespmem:s0], [sflag:$0x2] =	stream.linear.gather [hbm4b:s2+s3], $0x80, $0x38;
	[tilespmem:$0x1C100] =	vst v63  }
0x19: {  	_ =	swait.ge [sflag:s10], $0x80  }
0x1a: {  	[sflag:s10] =	ssyncset.done $0x0  }
0x1b: {  	s2 =	simm.s32 $0x18100;
	s0 =	rddreg [dreg:$0x7];
	[sflag:s10] =	ssyncadd.s32 $0xFFFFFF80  }
0x1c: {  	[tilespmem:s2], [sflag:$0x2] =	stream.linear.gather [hbm4b:s0+s3], $0x4000, $0x38;
	[tilespmem:$0x1C100] =	vst v63  }
0x1d: {  	_ =	swait.ge [sflag:s10], $0x4000  }
0x1e: {  	[sflag:s10] =	ssyncset.done $0x0  }
0x1f: {  	[sflag:s10] =	ssyncadd.s32 $0xFFFFC000  }
0x20: {  	v3 =	vld [tilespmem:$0x0];
	_ =	sdelay $0x4  }
0x21: {  	v4 =	vshrl.u32 v3, $0x3  }
0x22: {  	v4 =	vmul.u32 $0x30, v4  }
0x23: {  	v3 =	vand.u32 $0x7, v3  }
0x24: {  	v3 =	vor.u32 v3, v4  }
0x25: {  	v4 =	vperm.xlane v3, v0;
	_ =	sdelay $0x1  }
0x26: {  	v4 =	vadd.s32 v1, v4;
	_ =	sdelay $0x3  }
0x27: {  	s18 =	simm.s32 $0x100;
	v3 =	vperm.xlane v3, v2  }
0x28: {  	[tilespmem:s18], [sflag:$0x1] =	stream.indirect_vreg.gather [hbm4b:s1+s3], $0x80, v4, vm0, $0xb8;
	[tilespmem:$0x1C100] =	vst v63  }
0x29: {  	v3 =	vadd.s32 v1, v3  }
0x2a: {  	[tilespmem:s21], [sflag:$0x1] =	stream.indirect_vreg.gather [hbm4b:s5+s3], $0x80, v4, vm0, $0xb8;
	[tilespmem:$0x1C100] =	vst v63  }
0x2b: {  	_ = 	snop  }
0x2c: {  	[tilespmem:s22], [sflag:$0x1] =	stream.indirect_vreg.gather [hbm4b:s6+s3], $0x80, v4, vm0, $0xb8;
	[tilespmem:$0x1C100] =	vst v63  }
0x2d: {  	_ = 	snop  }
0x2e: {  	[tilespmem:s23], [sflag:$0x1] =	stream.indirect_vreg.gather [hbm4b:s1+s3], $0x80, v3, vm0, $0xb8;
	[tilespmem:$0x1C100] =	vst v63  }
0x2f: {  	_ = 	snop  }
0x30: {  	[tilespmem:s24], [sflag:$0x1] =	stream.indirect_vreg.gather [hbm4b:s5+s3], $0x80, v3, vm0, $0xb8;
	[tilespmem:$0x1C100] =	vst v63  }
0x31: {  	_ = 	snop  }
0x32: {  	[tilespmem:s25], [sflag:$0x1] =	stream.indirect_vreg.gather [hbm4b:s6+s3], $0x80, v3, vm0, $0xb8;
	[tilespmem:$0x1C100] =	vst v63  }
0x33: {  	v3 =	vld [tilespmem:$0x10];
	_ =	sdelay $0x4  }
0x34: {  	v49 =	vshrl.u32 v3, $0x3  }
0x35: {  	v4 =	vmul.u32 $0x30, v49  }
0x36: {  	v3 =	vand.u32 $0x7, v3  }
0x37: {  	v3 =	vor.u32 v3, v4  }
0x38: {  	v4 =	vperm.xlane v3, v0;
	_ =	sdelay $0x1  }
0x39: {  	v4 =	vadd.s32 v1, v4;
	_ =	sdelay $0x3  }
0x3a: {  	v3 =	vperm.xlane v3, v2  }
0x3b: {  	[tilespmem:s26], [sflag:$0x1] =	stream.indirect_vreg.gather [hbm4b:s1+s3], $0x80, v4, vm0, $0xb8;
	[tilespmem:$0x1C100] =	vst v63  }
0x3c: {  	v3 =	vadd.s32 v1, v3  }
0x3d: {  	[tilespmem:s28], [sflag:$0x1] =	stream.indirect_vreg.gather [hbm4b:s5+s3], $0x80, v4, vm0, $0xb8;
	[tilespmem:$0x1C100] =	vst v63  }
0x3e: {  	_ = 	snop  }
0x3f: {  	[tilespmem:s29], [sflag:$0x1] =	stream.indirect_vreg.gather [hbm4b:s6+s3], $0x80, v4, vm0, $0xb8;
	[tilespmem:$0x1C100] =	vst v63  }
0x40: {  	_ = 	snop  }
0x41: {  	[tilespmem:s30], [sflag:$0x1] =	stream.indirect_vreg.gather [hbm4b:s1+s3], $0x80, v3, vm0, $0xb8;
	[tilespmem:$0x1C100] =	vst v63  }
0x42: {  	_ = 	snop  }
0x43: {  	[tilespmem:s31], [sflag:$0x1] =	stream.indirect_vreg.gather [hbm4b:s5+s3], $0x80, v3, vm0, $0xb8;
	[tilespmem:$0x1C100] =	vst v63  }
0x44: {  	s2 =	simm.s32 $0x5900  }
0x45: {  	[tilespmem:s2], [sflag:$0x1] =	stream.indirect_vreg.gather [hbm4b:s6+s3], $0x80, v3, vm0, $0xb8;
	[tilespmem:$0x1C100] =	vst v63  }
0x46: {  	v3 =	vld [tilespmem:$0x20];
	_ =	sdelay $0x4  }
0x47: {  	v50 =	vshrl.u32 v3, $0x3  }
0x48: {  	v4 =	vmul.u32 $0x30, v50  }
0x49: {  	v3 =	vand.u32 $0x7, v3  }
0x4a: {  	v3 =	vor.u32 v3, v4  }
0x4b: {  	v4 =	vperm.xlane v3, v0;
	_ =	sdelay $0x1  }
0x4c: {  	v4 =	vadd.s32 v1, v4;
	_ =	sdelay $0x3  }
0x4d: {  	s0 =	simm.s32 $0x6100;
	v3 =	vperm.xlane v3, v2  }
0x4e: {  	[tilespmem:s0], [sflag:$0x1] =	stream.indirect_vreg.gather [hbm4b:s1+s3], $0x80, v4, vm0, $0xb8;
	[tilespmem:$0x1C100] =	vst v63  }
0x4f: {  	v3 =	vadd.s32 v1, v3  }
0x50: {  	[tilespmem:s11], [sflag:$0x1] =	stream.indirect_vreg.gather [hbm4b:s5+s3], $0x80, v4, vm0, $0xb8;
	[tilespmem:$0x1C100] =	vst v63  }
0x51: {  	_ = 	snop  }
0x52: {  	[tilespmem:s12], [sflag:$0x1] =	stream.indirect_vreg.gather [hbm4b:s6+s3], $0x80, v4, vm0, $0xb8;
	[tilespmem:$0x1C100] =	vst v63  }
0x53: {  	_ = 	snop  }
0x54: {  	[tilespmem:s13], [sflag:$0x1] =	stream.indirect_vreg.gather [hbm4b:s1+s3], $0x80, v3, vm0, $0xb8;
	[tilespmem:$0x1C100] =	vst v63  }
0x55: {  	_ = 	snop  }
0x56: {  	[tilespmem:s14], [sflag:$0x1] =	stream.indirect_vreg.gather [hbm4b:s5+s3], $0x80, v3, vm0, $0xb8;
	[tilespmem:$0x1C100] =	vst v63  }
0x57: {  	_ = 	snop  }
0x58: {  	[tilespmem:s15], [sflag:$0x1] =	stream.indirect_vreg.gather [hbm4b:s6+s3], $0x80, v3, vm0, $0xb8;
	[tilespmem:$0x1C100] =	vst v63  }
0x59: {  	v3 =	vld [tilespmem:$0x30];
	_ =	sdelay $0x4  }
0x5a: {  	v51 =	vshrl.u32 v3, $0x3  }
0x5b: {  	v4 =	vmul.u32 $0x30, v51  }
0x5c: {  	v3 =	vand.u32 $0x7, v3  }
0x5d: {  	v3 =	vor.u32 v3, v4  }
0x5e: {  	v4 =	vperm.xlane v3, v0;
	_ =	sdelay $0x1  }
0x5f: {  	v4 =	vadd.s32 v1, v4;
	_ =	sdelay $0x3  }
0x60: {  	v3 =	vperm.xlane v3, v2  }
0x61: {  	[tilespmem:s16], [sflag:$0x1] =	stream.indirect_vreg.gather [hbm4b:s1+s3], $0x80, v4, vm0, $0xb8;
	[tilespmem:$0x1C100] =	vst v63  }
0x62: {  	v3 =	vadd.s32 v1, v3  }
0x63: {  	[tilespmem:s19], [sflag:$0x1] =	stream.indirect_vreg.gather [hbm4b:s5+s3], $0x80, v4, vm0, $0xb8;
	[tilespmem:$0x1C100] =	vst v63  }
0x64: {  	_ = 	snop  }
0x65: {  	[tilespmem:s20], [sflag:$0x1] =	stream.indirect_vreg.gather [hbm4b:s6+s3], $0x80, v4, vm0, $0xb8;
	[tilespmem:$0x1C100] =	vst v63  }
0x66: {  	s0 =	simm.s32 $0xA900  }
0x67: {  	[tilespmem:s0], [sflag:$0x1] =	stream.indirect_vreg.gather [hbm4b:s1+s3], $0x80, v3, vm0, $0xb8;
	[tilespmem:$0x1C100] =	vst v63  }
0x68: {  	s0 =	simm.s32 $0xB100  }
0x69: {  	[tilespmem:s0], [sflag:$0x1] =	stream.indirect_vreg.gather [hbm4b:s5+s3], $0x80, v3, vm0, $0xb8;
	[tilespmem:$0x1C100] =	vst v63  }
0x6a: {  	s0 =	simm.s32 $0xB900  }
0x6b: {  	[tilespmem:s0], [sflag:$0x1] =	stream.indirect_vreg.gather [hbm4b:s6+s3], $0x80, v3, vm0, $0xb8;
	[tilespmem:$0x1C100] =	vst v63  }
0x6c: {  	v3 =	vld [tilespmem:$0x40];
	_ =	sdelay $0x4  }
0x6d: {  	v52 =	vshrl.u32 v3, $0x3  }
0x6e: {  	v4 =	vmul.u32 $0x30, v52  }
0x6f: {  	v3 =	vand.u32 $0x7, v3  }
0x70: {  	v3 =	vor.u32 v3, v4  }
0x71: {  	v4 =	vperm.xlane v3, v0;
	_ =	sdelay $0x1  }
0x72: {  	v4 =	vadd.s32 v1, v4;
	_ =	sdelay $0x3  }
0x73: {  	s0 =	simm.s32 $0xC100;
	v3 =	vperm.xlane v3, v2  }
0x74: {  	[tilespmem:s0], [sflag:$0x1] =	stream.indirect_vreg.gather [hbm4b:s1+s3], $0x80, v4, vm0, $0xb8;
	[tilespmem:$0x1C100] =	vst v63  }
0x75: {  	v3 =	vadd.s32 v1, v3;
	s0 =	simm.s32 $0xC900  }
0x76: {  	[tilespmem:s0], [sflag:$0x1] =	stream.indirect_vreg.gather [hbm4b:s5+s3], $0x80, v4, vm0, $0xb8;
	[tilespmem:$0x1C100] =	vst v63  }
0x77: {  	s0 =	simm.s32 $0xD100  }
0x78: {  	[tilespmem:s0], [sflag:$0x1] =	stream.indirect_vreg.gather [hbm4b:s6+s3], $0x80, v4, vm0, $0xb8;
	[tilespmem:$0x1C100] =	vst v63  }
0x79: {  	s0 =	simm.s32 $0xD900  }
0x7a: {  	[tilespmem:s0], [sflag:$0x1] =	stream.indirect_vreg.gather [hbm4b:s1+s3], $0x80, v3, vm0, $0xb8;
	[tilespmem:$0x1C100] =	vst v63  }
0x7b: {  	s0 =	simm.s32 $0xE100  }
0x7c: {  	[tilespmem:s0], [sflag:$0x1] =	stream.indirect_vreg.gather [hbm4b:s5+s3], $0x80, v3, vm0, $0xb8;
	[tilespmem:$0x1C100] =	vst v63  }
0x7d: {  	s0 =	simm.s32 $0xE900  }
0x7e: {  	[tilespmem:s0], [sflag:$0x1] =	stream.indirect_vreg.gather [hbm4b:s6+s3], $0x80, v3, vm0, $0xb8;
	[tilespmem:$0x1C100] =	vst v63  }
0x7f: {  	v3 =	vld [tilespmem:$0x50];
	_ =	sdelay $0x4  }
0x80: {  	v53 =	vshrl.u32 v3, $0x3  }
0x81: {  	v4 =	vmul.u32 $0x30, v53  }
0x82: {  	v3 =	vand.u32 $0x7, v3  }
0x83: {  	v3 =	vor.u32 v3, v4  }
0x84: {  	v4 =	vperm.xlane v3, v0;
	_ =	sdelay $0x1  }
0x85: {  	v4 =	vadd.s32 v1, v4;
	_ =	sdelay $0x3  }
0x86: {  	s0 =	simm.s32 $0xF100;
	v3 =	vperm.xlane v3, v2  }
0x87: {  	[tilespmem:s0], [sflag:$0x1] =	stream.indirect_vreg.gather [hbm4b:s1+s3], $0x80, v4, vm0, $0xb8;
	[tilespmem:$0x1C100] =	vst v63  }
0x88: {  	v3 =	vadd.s32 v1, v3;
	s0 =	simm.s32 $0xF900  }
0x89: {  	[tilespmem:s0], [sflag:$0x1] =	stream.indirect_vreg.gather [hbm4b:s5+s3], $0x80, v4, vm0, $0xb8;
	[tilespmem:$0x1C100] =	vst v63  }
0x8a: {  	s0 =	simm.s32 $0x10100  }
0x8b: {  	[tilespmem:s0], [sflag:$0x1] =	stream.indirect_vreg.gather [hbm4b:s6+s3], $0x80, v4, vm0, $0xb8;
	[tilespmem:$0x1C100] =	vst v63  }
0x8c: {  	s0 =	simm.s32 $0x10900  }
0x8d: {  	[tilespmem:s0], [sflag:$0x1] =	stream.indirect_vreg.gather [hbm4b:s1+s3], $0x80, v3, vm0, $0xb8;
	[tilespmem:$0x1C100] =	vst v63  }
0x8e: {  	s0 =	simm.s32 $0x11100  }
0x8f: {  	[tilespmem:s0], [sflag:$0x1] =	stream.indirect_vreg.gather [hbm4b:s5+s3], $0x80, v3, vm0, $0xb8;
	[tilespmem:$0x1C100] =	vst v63  }
0x90: {  	s0 =	simm.s32 $0x11900  }
0x91: {  	[tilespmem:s0], [sflag:$0x1] =	stream.indirect_vreg.gather [hbm4b:s6+s3], $0x80, v3, vm0, $0xb8;
	[tilespmem:$0x1C100] =	vst v63  }
0x92: {  	v3 =	vld [tilespmem:$0x60];
	_ =	sdelay $0x4  }
0x93: {  	v54 =	vshrl.u32 v3, $0x3  }
0x94: {  	v4 =	vmul.u32 $0x30, v54  }
0x95: {  	v3 =	vand.u32 $0x7, v3  }
0x96: {  	v3 =	vor.u32 v3, v4  }
0x97: {  	v4 =	vperm.xlane v3, v0;
	_ =	sdelay $0x1  }
0x98: {  	v4 =	vadd.s32 v1, v4;
	_ =	sdelay $0x3  }
0x99: {  	s0 =	simm.s32 $0x12100;
	v3 =	vperm.xlane v3, v2  }
0x9a: {  	[tilespmem:s0], [sflag:$0x1] =	stream.indirect_vreg.gather [hbm4b:s1+s3], $0x80, v4, vm0, $0xb8;
	[tilespmem:$0x1C100] =	vst v63  }
0x9b: {  	v3 =	vadd.s32 v1, v3;
	s0 =	simm.s32 $0x12900  }
0x9c: {  	[tilespmem:s0], [sflag:$0x1] =	stream.indirect_vreg.gather [hbm4b:s5+s3], $0x80, v4, vm0, $0xb8;
	[tilespmem:$0x1C100] =	vst v63  }
0x9d: {  	s0 =	simm.s32 $0x13100  }
0x9e: {  	[tilespmem:s0], [sflag:$0x1] =	stream.indirect_vreg.gather [hbm4b:s6+s3], $0x80, v4, vm0, $0xb8;
	[tilespmem:$0x1C100] =	vst v63  }
0x9f: {  	s0 =	simm.s32 $0x13900  }
0xa0: {  	[tilespmem:s0], [sflag:$0x1] =	stream.indirect_vreg.gather [hbm4b:s1+s3], $0x80, v3, vm0, $0xb8;
	[tilespmem:$0x1C100] =	vst v63  }
0xa1: {  	s0 =	simm.s32 $0x14100  }
0xa2: {  	[tilespmem:s0], [sflag:$0x1] =	stream.indirect_vreg.gather [hbm4b:s5+s3], $0x80, v3, vm0, $0xb8;
	[tilespmem:$0x1C100] =	vst v63  }
0xa3: {  	s0 =	simm.s32 $0x14900  }
0xa4: {  	[tilespmem:s0], [sflag:$0x1] =	stream.indirect_vreg.gather [hbm4b:s6+s3], $0x80, v3, vm0, $0xb8;
	[tilespmem:$0x1C100] =	vst v63  }
0xa5: {  	v3 =	vld [tilespmem:$0x70];
	_ =	sdelay $0x4  }
0xa6: {  	v55 =	vshrl.u32 v3, $0x3  }
0xa7: {  	v4 =	vmul.u32 $0x30, v55  }
0xa8: {  	v3 =	vand.u32 $0x7, v3  }
0xa9: {  	v3 =	vor.u32 v3, v4  }
0xaa: {  	v4 =	vperm.xlane v3, v0;
	_ =	sdelay $0x1  }
0xab: {  	v4 =	vadd.s32 v1, v4;
	_ =	sdelay $0x3  }
0xac: {  	s0 =	simm.s32 $0x15100;
	v3 =	vperm.xlane v3, v2  }
0xad: {  	[tilespmem:s0], [sflag:$0x1] =	stream.indirect_vreg.gather [hbm4b:s1+s3], $0x80, v4, vm0, $0xb8;
	[tilespmem:$0x1C100] =	vst v63  }
0xae: {  	v3 =	vadd.s32 v1, v3;
	s0 =	simm.s32 $0x15900  }
0xaf: {  	[tilespmem:s0], [sflag:$0x1] =	stream.indirect_vreg.gather [hbm4b:s5+s3], $0x80, v4, vm0, $0xb8;
	[tilespmem:$0x1C100] =	vst v63  }
0xb0: {  	s0 =	simm.s32 $0x16100  }
0xb1: {  	[tilespmem:s0], [sflag:$0x1] =	stream.indirect_vreg.gather [hbm4b:s6+s3], $0x80, v4, vm0, $0xb8;
	[tilespmem:$0x1C100] =	vst v63  }
0xb2: {  	s0 =	simm.s32 $0x16900  }
0xb3: {  	[tilespmem:s0], [sflag:$0x1] =	stream.indirect_vreg.gather [hbm4b:s1+s3], $0x80, v3, vm0, $0xb8;
	[tilespmem:$0x1C100] =	vst v63  }
0xb4: {  	s0 =	simm.s32 $0x17100  }
0xb5: {  	[tilespmem:s0], [sflag:$0x1] =	stream.indirect_vreg.gather [hbm4b:s5+s3], $0x80, v3, vm0, $0xb8;
	[tilespmem:$0x1C100] =	vst v63  }
0xb6: {  	s0 =	simm.s32 $0x17900  }
0xb7: {  	[tilespmem:s0], [sflag:$0x1] =	stream.indirect_vreg.gather [hbm4b:s6+s3], $0x80, v3, vm0, $0xb8;
	[tilespmem:$0x1C100] =	vst v63  }
0xb8: {  	_ =	swait.ge [sflag:s17], $0x18000  }
0xb9: {  	[sflag:s17] =	ssyncset.done $0x0  }
0xba: {  	[sflag:s17] =	ssyncadd.s32 $0xFFFE8000  }
0xbb: {  	v3 =	vld [tilespmem:$0x80];
	_ =	sdelay $0x4  }
0xbc: {  	v56 =	vshrl.u32 v3, $0x3  }
0xbd: {  	v4 =	vmul.u32 $0x30, v56  }
0xbe: {  	v3 =	vand.u32 $0x7, v3  }
0xbf: {  	v3 =	vor.u32 v3, v4  }
0xc0: {  	v4 =	vperm.xlane v3, v0;
	_ =	sdelay $0x1  }
0xc1: {  	v4 =	vadd.s32 v1, v4;
	_ =	sdelay $0x3  }
0xc2: {  	v3 =	vperm.xlane v3, v2  }
0xc3: {  	[hbm4b:s4+s3] =	stream.indirect_vreg.scatter [tilespmem:s18], [sflag:$0x1], $0x80, v4, vm0, $0xb8;
	[tilespmem:$0x1C100] =	vst v63  }
0xc4: {  	v3 =	vadd.s32 v1, v3  }
0xc5: {  	[hbm4b:s7+s3] =	stream.indirect_vreg.scatter [tilespmem:s21], [sflag:$0x1], $0x80, v4, vm0, $0xb8;
	[tilespmem:$0x1C100] =	vst v63  }
0xc6: {  	_ = 	snop  }
0xc7: {  	[hbm4b:s8+s3] =	stream.indirect_vreg.scatter [tilespmem:s22], [sflag:$0x1], $0x80, v4, vm0, $0xb8;
	[tilespmem:$0x1C100] =	vst v63  }
0xc8: {  	_ = 	snop  }
0xc9: {  	[hbm4b:s4+s3] =	stream.indirect_vreg.scatter [tilespmem:s23], [sflag:$0x1], $0x80, v3, vm0, $0xb8;
	[tilespmem:$0x1C100] =	vst v63  }
0xca: {  	_ = 	snop  }
0xcb: {  	[hbm4b:s7+s3] =	stream.indirect_vreg.scatter [tilespmem:s24], [sflag:$0x1], $0x80, v3, vm0, $0xb8;
	[tilespmem:$0x1C100] =	vst v63  }
0xcc: {  	_ = 	snop  }
0xcd: {  	[hbm4b:s8+s3] =	stream.indirect_vreg.scatter [tilespmem:s25], [sflag:$0x1], $0x80, v3, vm0, $0xb8;
	[tilespmem:$0x1C100] =	vst v63  }
0xce: {  	v3 =	vld [tilespmem:$0x90];
	_ =	sdelay $0x4  }
0xcf: {  	v57 =	vshrl.u32 v3, $0x3  }
0xd0: {  	v4 =	vmul.u32 $0x30, v57  }
0xd1: {  	v3 =	vand.u32 $0x7, v3  }
0xd2: {  	v3 =	vor.u32 v3, v4  }
0xd3: {  	v4 =	vperm.xlane v3, v0;
	_ =	sdelay $0x1  }
0xd4: {  	v4 =	vadd.s32 v1, v4;
	_ =	sdelay $0x3  }
0xd5: {  	v3 =	vperm.xlane v3, v2  }
0xd6: {  	[hbm4b:s4+s3] =	stream.indirect_vreg.scatter [tilespmem:s26], [sflag:$0x1], $0x80, v4, vm0, $0xb8;
	[tilespmem:$0x1C100] =	vst v63  }
0xd7: {  	v3 =	vadd.s32 v1, v3  }
0xd8: {  	[hbm4b:s7+s3] =	stream.indirect_vreg.scatter [tilespmem:s28], [sflag:$0x1], $0x80, v4, vm0, $0xb8;
	[tilespmem:$0x1C100] =	vst v63  }
0xd9: {  	_ = 	snop  }
0xda: {  	[hbm4b:s8+s3] =	stream.indirect_vreg.scatter [tilespmem:s29], [sflag:$0x1], $0x80, v4, vm0, $0xb8;
	[tilespmem:$0x1C100] =	vst v63  }
0xdb: {  	_ = 	snop  }
0xdc: {  	[hbm4b:s4+s3] =	stream.indirect_vreg.scatter [tilespmem:s30], [sflag:$0x1], $0x80, v3, vm0, $0xb8;
	[tilespmem:$0x1C100] =	vst v63  }
0xdd: {  	_ = 	snop  }
0xde: {  	[hbm4b:s7+s3] =	stream.indirect_vreg.scatter [tilespmem:s31], [sflag:$0x1], $0x80, v3, vm0, $0xb8;
	[tilespmem:$0x1C100] =	vst v63  }
0xdf: {  	_ = 	snop  }
0xe0: {  	[hbm4b:s8+s3] =	stream.indirect_vreg.scatter [tilespmem:s2], [sflag:$0x1], $0x80, v3, vm0, $0xb8;
	[tilespmem:$0x1C100] =	vst v63  }
0xe1: {  	v3 =	vld [tilespmem:$0xA0];
	_ =	sdelay $0x4  }
0xe2: {  	v58 =	vshrl.u32 v3, $0x3  }
0xe3: {  	v4 =	vmul.u32 $0x30, v58  }
0xe4: {  	v3 =	vand.u32 $0x7, v3  }
0xe5: {  	v3 =	vor.u32 v3, v4  }
0xe6: {  	v4 =	vperm.xlane v3, v0;
	_ =	sdelay $0x1  }
0xe7: {  	v4 =	vadd.s32 v1, v4;
	_ =	sdelay $0x3  }
0xe8: {  	s2 =	simm.s32 $0x6100;
	v3 =	vperm.xlane v3, v2  }
0xe9: {  	[hbm4b:s4+s3] =	stream.indirect_vreg.scatter [tilespmem:s2], [sflag:$0x1], $0x80, v4, vm0, $0xb8;
	[tilespmem:$0x1C100] =	vst v63  }
0xea: {  	v3 =	vadd.s32 v1, v3  }
0xeb: {  	[hbm4b:s7+s3] =	stream.indirect_vreg.scatter [tilespmem:s11], [sflag:$0x1], $0x80, v4, vm0, $0xb8;
	[tilespmem:$0x1C100] =	vst v63  }
0xec: {  	_ = 	snop  }
0xed: {  	[hbm4b:s8+s3] =	stream.indirect_vreg.scatter [tilespmem:s12], [sflag:$0x1], $0x80, v4, vm0, $0xb8;
	[tilespmem:$0x1C100] =	vst v63  }
0xee: {  	_ = 	snop  }
0xef: {  	[hbm4b:s4+s3] =	stream.indirect_vreg.scatter [tilespmem:s13], [sflag:$0x1], $0x80, v3, vm0, $0xb8;
	[tilespmem:$0x1C100] =	vst v63  }
0xf0: {  	_ = 	snop  }
0xf1: {  	[hbm4b:s7+s3] =	stream.indirect_vreg.scatter [tilespmem:s14], [sflag:$0x1], $0x80, v3, vm0, $0xb8;
	[tilespmem:$0x1C100] =	vst v63  }
0xf2: {  	_ = 	snop  }
0xf3: {  	[hbm4b:s8+s3] =	stream.indirect_vreg.scatter [tilespmem:s15], [sflag:$0x1], $0x80, v3, vm0, $0xb8;
	[tilespmem:$0x1C100] =	vst v63  }
0xf4: {  	v3 =	vld [tilespmem:$0xB0];
	_ =	sdelay $0x4  }
0xf5: {  	v59 =	vshrl.u32 v3, $0x3  }
0xf6: {  	v4 =	vmul.u32 $0x30, v59  }
0xf7: {  	v3 =	vand.u32 $0x7, v3  }
0xf8: {  	v3 =	vor.u32 v3, v4  }
0xf9: {  	v4 =	vperm.xlane v3, v0;
	_ =	sdelay $0x1  }
0xfa: {  	v4 =	vadd.s32 v1, v4;
	_ =	sdelay $0x3  }
0xfb: {  	v3 =	vperm.xlane v3, v2  }
0xfc: {  	[hbm4b:s4+s3] =	stream.indirect_vreg.scatter [tilespmem:s16], [sflag:$0x1], $0x80, v4, vm0, $0xb8;
	[tilespmem:$0x1C100] =	vst v63  }
0xfd: {  	v3 =	vadd.s32 v1, v3  }
0xfe: {  	[hbm4b:s7+s3] =	stream.indirect_vreg.scatter [tilespmem:s19], [sflag:$0x1], $0x80, v4, vm0, $0xb8;
	[tilespmem:$0x1C100] =	vst v63  }
0xff: {  	_ = 	snop  }
0x100: {  	[hbm4b:s8+s3] =	stream.indirect_vreg.scatter [tilespmem:s20], [sflag:$0x1], $0x80, v4, vm0, $0xb8;
	[tilespmem:$0x1C100] =	vst v63  }
0x101: {  	s18 =	simm.s32 $0xA900  }
0x102: {  	[hbm4b:s4+s3] =	stream.indirect_vreg.scatter [tilespmem:s18], [sflag:$0x1], $0x80, v3, vm0, $0xb8;
	[tilespmem:$0x1C100] =	vst v63  }
0x103: {  	s2 =	simm.s32 $0xB100  }
0x104: {  	[hbm4b:s7+s3] =	stream.indirect_vreg.scatter [tilespmem:s2], [sflag:$0x1], $0x80, v3, vm0, $0xb8;
	[tilespmem:$0x1C100] =	vst v63  }
0x105: {  	s18 =	simm.s32 $0xB900  }
0x106: {  	[hbm4b:s8+s3] =	stream.indirect_vreg.scatter [tilespmem:s18], [sflag:$0x1], $0x80, v3, vm0, $0xb8;
	[tilespmem:$0x1C100] =	vst v63  }
0x107: {  	v3 =	vld [tilespmem:$0xC0];
	_ =	sdelay $0x4  }
0x108: {  	v60 =	vshrl.u32 v3, $0x3  }
0x109: {  	v4 =	vmul.u32 $0x30, v60  }
0x10a: {  	v3 =	vand.u32 $0x7, v3  }
0x10b: {  	v3 =	vor.u32 v3, v4  }
0x10c: {  	v4 =	vperm.xlane v3, v0;
	_ =	sdelay $0x1  }
0x10d: {  	v4 =	vadd.s32 v1, v4;
	_ =	sdelay $0x3  }
0x10e: {  	s2 =	simm.s32 $0xC100;
	v3 =	vperm.xlane v3, v2  }
0x10f: {  	[hbm4b:s4+s3] =	stream.indirect_vreg.scatter [tilespmem:s2], [sflag:$0x1], $0x80, v4, vm0, $0xb8;
	[tilespmem:$0x1C100] =	vst v63  }
0x110: {  	s18 =	simm.s32 $0xC900;
	v3 =	vadd.s32 v1, v3  }
0x111: {  	[hbm4b:s7+s3] =	stream.indirect_vreg.scatter [tilespmem:s18], [sflag:$0x1], $0x80, v4, vm0, $0xb8;
	[tilespmem:$0x1C100] =	vst v63  }
0x112: {  	s2 =	simm.s32 $0xD100  }
0x113: {  	[hbm4b:s8+s3] =	stream.indirect_vreg.scatter [tilespmem:s2], [sflag:$0x1], $0x80, v4, vm0, $0xb8;
	[tilespmem:$0x1C100] =	vst v63  }
0x114: {  	s18 =	simm.s32 $0xD900  }
0x115: {  	[hbm4b:s4+s3] =	stream.indirect_vreg.scatter [tilespmem:s18], [sflag:$0x1], $0x80, v3, vm0, $0xb8;
	[tilespmem:$0x1C100] =	vst v63  }
0x116: {  	s2 =	simm.s32 $0xE100  }
0x117: {  	[hbm4b:s7+s3] =	stream.indirect_vreg.scatter [tilespmem:s2], [sflag:$0x1], $0x80, v3, vm0, $0xb8;
	[tilespmem:$0x1C100] =	vst v63  }
0x118: {  	s18 =	simm.s32 $0xE900  }
0x119: {  	[hbm4b:s8+s3] =	stream.indirect_vreg.scatter [tilespmem:s18], [sflag:$0x1], $0x80, v3, vm0, $0xb8;
	[tilespmem:$0x1C100] =	vst v63  }
0x11a: {  	v3 =	vld [tilespmem:$0xD0];
	_ =	sdelay $0x4  }
0x11b: {  	v61 =	vshrl.u32 v3, $0x3  }
0x11c: {  	v4 =	vmul.u32 $0x30, v61  }
0x11d: {  	v3 =	vand.u32 $0x7, v3  }
0x11e: {  	v3 =	vor.u32 v3, v4  }
0x11f: {  	v4 =	vperm.xlane v3, v0;
	_ =	sdelay $0x1  }
0x120: {  	v4 =	vadd.s32 v1, v4;
	_ =	sdelay $0x3  }
0x121: {  	s2 =	simm.s32 $0xF100;
	v3 =	vperm.xlane v3, v2  }
0x122: {  	[hbm4b:s4+s3] =	stream.indirect_vreg.scatter [tilespmem:s2], [sflag:$0x1], $0x80, v4, vm0, $0xb8;
	[tilespmem:$0x1C100] =	vst v63  }
0x123: {  	s18 =	simm.s32 $0xF900;
	v3 =	vadd.s32 v1, v3  }
0x124: {  	[hbm4b:s7+s3] =	stream.indirect_vreg.scatter [tilespmem:s18], [sflag:$0x1], $0x80, v4, vm0, $0xb8;
	[tilespmem:$0x1C100] =	vst v63  }
0x125: {  	s2 =	simm.s32 $0x10100  }
0x126: {  	[hbm4b:s8+s3] =	stream.indirect_vreg.scatter [tilespmem:s2], [sflag:$0x1], $0x80, v4, vm0, $0xb8;
	[tilespmem:$0x1C100] =	vst v63  }
0x127: {  	s18 =	simm.s32 $0x10900  }
0x128: {  	[hbm4b:s4+s3] =	stream.indirect_vreg.scatter [tilespmem:s18], [sflag:$0x1], $0x80, v3, vm0, $0xb8;
	[tilespmem:$0x1C100] =	vst v63  }
0x129: {  	s2 =	simm.s32 $0x11100  }
0x12a: {  	[hbm4b:s7+s3] =	stream.indirect_vreg.scatter [tilespmem:s2], [sflag:$0x1], $0x80, v3, vm0, $0xb8;
	[tilespmem:$0x1C100] =	vst v63  }
0x12b: {  	s18 =	simm.s32 $0x11900  }
0x12c: {  	[hbm4b:s8+s3] =	stream.indirect_vreg.scatter [tilespmem:s18], [sflag:$0x1], $0x80, v3, vm0, $0xb8;
	[tilespmem:$0x1C100] =	vst v63  }
0x12d: {  	v3 =	vld [tilespmem:$0xE0];
	_ =	sdelay $0x4  }
0x12e: {  	v62 =	vshrl.u32 v3, $0x3  }
0x12f: {  	v4 =	vmul.u32 $0x30, v62  }
0x130: {  	v3 =	vand.u32 $0x7, v3  }
0x131: {  	v3 =	vor.u32 v3, v4  }
0x132: {  	v4 =	vperm.xlane v3, v0;
	_ =	sdelay $0x1  }
0x133: {  	v4 =	vadd.s32 v1, v4;
	_ =	sdelay $0x3  }
0x134: {  	s2 =	simm.s32 $0x12100;
	v3 =	vperm.xlane v3, v2  }
0x135: {  	[hbm4b:s4+s3] =	stream.indirect_vreg.scatter [tilespmem:s2], [sflag:$0x1], $0x80, v4, vm0, $0xb8;
	[tilespmem:$0x1C100] =	vst v63  }
0x136: {  	s18 =	simm.s32 $0x12900;
	v3 =	vadd.s32 v1, v3  }
0x137: {  	[hbm4b:s7+s3] =	stream.indirect_vreg.scatter [tilespmem:s18], [sflag:$0x1], $0x80, v4, vm0, $0xb8;
	[tilespmem:$0x1C100] =	vst v63  }
0x138: {  	s2 =	simm.s32 $0x13100  }
0x139: {  	[hbm4b:s8+s3] =	stream.indirect_vreg.scatter [tilespmem:s2], [sflag:$0x1], $0x80, v4, vm0, $0xb8;
	[tilespmem:$0x1C100] =	vst v63  }
0x13a: {  	s18 =	simm.s32 $0x13900  }
0x13b: {  	[hbm4b:s4+s3] =	stream.indirect_vreg.scatter [tilespmem:s18], [sflag:$0x1], $0x80, v3, vm0, $0xb8;
	[tilespmem:$0x1C100] =	vst v63  }
0x13c: {  	s2 =	simm.s32 $0x14100  }
0x13d: {  	[hbm4b:s7+s3] =	stream.indirect_vreg.scatter [tilespmem:s2], [sflag:$0x1], $0x80, v3, vm0, $0xb8;
	[tilespmem:$0x1C100] =	vst v63  }
0x13e: {  	s18 =	simm.s32 $0x14900  }
0x13f: {  	[hbm4b:s8+s3] =	stream.indirect_vreg.scatter [tilespmem:s18], [sflag:$0x1], $0x80, v3, vm0, $0xb8;
	[tilespmem:$0x1C100] =	vst v63  }
0x140: {  	v3 =	vld [tilespmem:$0xF0];
	_ =	sdelay $0x4  }
0x141: {  	v63 =	vshrl.u32 v3, $0x3  }
0x142: {  	v4 =	vmul.u32 $0x30, v63  }
0x143: {  	v3 =	vand.u32 $0x7, v3  }
0x144: {  	v3 =	vor.u32 v3, v4  }
0x145: {  	v4 =	vperm.xlane v3, v0;
	_ =	sdelay $0x1  }
0x146: {  	v4 =	vadd.s32 v1, v4;
	_ =	sdelay $0x3  }
0x147: {  	s2 =	simm.s32 $0x15100;
	v3 =	vperm.xlane v3, v2  }
0x148: {  	[hbm4b:s4+s3] =	stream.indirect_vreg.scatter [tilespmem:s2], [sflag:$0x1], $0x80, v4, vm0, $0xb8;
	[tilespmem:$0x1C100] =	vst v63  }
0x149: {  	s18 =	simm.s32 $0x15900;
	v3 =	vadd.s32 v1, v3  }
0x14a: {  	[hbm4b:s7+s3] =	stream.indirect_vreg.scatter [tilespmem:s18], [sflag:$0x1], $0x80, v4, vm0, $0xb8;
	[tilespmem:$0x1C100] =	vst v63  }
0x14b: {  	s2 =	simm.s32 $0x16100  }
0x14c: {  	[hbm4b:s8+s3] =	stream.indirect_vreg.scatter [tilespmem:s2], [sflag:$0x1], $0x80, v4, vm0, $0xb8;
	[tilespmem:$0x1C100] =	vst v63  }
0x14d: {  	s18 =	simm.s32 $0x16900  }
0x14e: {  	[hbm4b:s4+s3] =	stream.indirect_vreg.scatter [tilespmem:s18], [sflag:$0x1], $0x80, v3, vm0, $0xb8;
	[tilespmem:$0x1C100] =	vst v63  }
0x14f: {  	s2 =	simm.s32 $0x17100  }
0x150: {  	[hbm4b:s7+s3] =	stream.indirect_vreg.scatter [tilespmem:s2], [sflag:$0x1], $0x80, v3, vm0, $0xb8;
	[tilespmem:$0x1C100] =	vst v63  }
0x151: {  	s18 =	simm.s32 $0x17900  }
0x152: {  	[hbm4b:s8+s3] =	stream.indirect_vreg.scatter [tilespmem:s18], [sflag:$0x1], $0x80, v3, vm0, $0xb8;
	[tilespmem:$0x1C100] =	vst v63  }
0x153: {  	p0 =	sne.s32 s9, $0x1;
	_ =	swait.ge [sflag:s17], $0x18000  }
0x154: {  	s0 =	simm.s32 $0x80;
	s2 =	simm.s32 $0x18100;
	[sflag:s17] =	ssyncset.done $0x0  }
.Ltmp0:
0x155: {  	s18 =	rddreg [dreg:$0x4];
	[sflag:s17] =	ssyncadd.s32 $0xFFFE8000;
	(pc) =	sbr.rel @p0 .LBB2_1-.Ltmp0, $4  }
0x156: {  	[hbm4b:s18+s0] =	stream.indirect.scatter [tilespmem:s2], [sflag:$0x1], $0x80, s0, s0, $0xb8;
	[tilespmem:$0x1C100] =	vst v63  }
0x157: {  	_ =	swait.ge [sflag:s17], $0x4000  }
0x158: {  	[sflag:s17] =	ssyncset.done $0x0  }
0x159: {  	s9 =	sadd.s32 $0xFFFFFFFF, s9;
	[sflag:s17] =	ssyncadd.s32 $0xFFFFC000  }
0x15a: {  	_ =	sfence.sel $0x180000  }
0x15b: {  	[bflag:$0x0] =	sbarrier.arrive $0xFFFF  }
0x15c: {  	_ =	strace $0x90000047  }
0x15d: {  	s0 =	stileid.u32;
	[bflag:$0x2] =	sbarrier.arrive $0xFFFF  }
0x15e: {  	p0 =	sne.s32 s0, $0x0;
	s0 =	rddreg [dreg:$0x3]  }
0x15f: {  	s0 =	sadd.s32 @!p0 $0x100000, s0  }
0x160: {  	[sflag:s0] =	ssyncadd.tile.s32 @!p0 $0x1;
	_ =	shalt  }
.Lfunc_end2:
_tile_overlayer_lowered:
.L_overlay_start_2:
0x161: {  	(tag) =	ssettag $0x2  }
0x162: {  	s0 =	rddreg [dreg:$0x0];
	s2 =	stileid.u32  }
0x163: {  	s1 =	rddreg [dreg:$0x1];
	p0 =	sne.s32 s2, $0x0  }
0x164: {  	s3 =	rddreg [dreg:$0x2];
	[bflag:$0x3] =	sbarrier.arrive $0xFFFF;
	s2 =	simm.s32 @!p0 $0x1C02  }
0x165: {  	[timem:s3], [sflag:s2] =	dma.local @!p0 [hbm:s0], s1  }
0x166: {  	s0 =	simm.s32 @!p0 $0x2  }
0x167: {  	_ =	swait.ge @!p0 [sflag:s0], s1  }
0x168: {  	s1 =	ssub.s32 @!p0 $0x0, s1;
	[sflag:s0] =	ssyncset.done @!p0 $0x0  }
0x169: {  	[sflag:s0] =	ssyncadd.s32 @!p0 s1  }
0x16a: {  	[bflag:$0x3] =	sbarrier.arrive $0xFFFF  }
0x16b: {  	_ =	shalt  }

</sc_bundles>
